<compile_context>
chip_gen: v7x
topology: tpu7x:2x2x1
jax: 0.10.2.dev20260603
libtpu: 0.0.44.dev20260713+nightly
codegen_flags: <defaults>
</compile_context>

<pallas_src>
import jax
import jax.numpy as jnp
from jax import lax
from jax.experimental import pallas as pl
from jax.experimental.pallas import tpu as pltpu
from jax.experimental.pallas import tpu_sc as plsc

N = 10000
E = 320000
D = 128
H = 64
G = 128

NC = 2
NS = 16
NW = NC * NS

ROWS_PT = 640
R_STEP = 624
N_PAD = 15 * R_STEP + ROWS_PT
CHUNK = 80
NCH = 125


def _make_segsum(width, tc_tiling):

    def body(table, srcix, dstix, out, src_v, dst_v, rows_v, acc_sh, sem):
        c = lax.axis_index("c")
        s = lax.axis_index("s")
        wid = c * NS + s
        r0 = s * R_STEP
        icp1 = pltpu.async_copy(srcix.at[wid], src_v, sem)
        icp2 = pltpu.async_copy(dstix.at[wid], dst_v, sem)

        zvec = jnp.zeros((16,), jnp.float32)

        def zv(i, carry):
            rr = i // (width // 16)
            kk = i % (width // 16)
            rows_v[0, rr, pl.ds(kk * 16, 16)] = zvec
            return carry

        lax.fori_loop(0, CHUNK * width // 16, zv, 0)

        def zc(k, carry):
            pltpu.sync_copy(rows_v.at[0],
                            acc_sh.at[pl.ds(r0 + k * CHUNK, CHUNK)])
            return carry

        lax.fori_loop(0, ROWS_PT // CHUNK, zc, 0)
        icp1.wait()
        icp2.wait()
        plsc.subcore_barrier()

        pltpu.async_copy(table.at[src_v.at[0]], rows_v.at[0], sem)
        pltpu.async_copy(table.at[src_v.at[1]], rows_v.at[1], sem)

        def chunk(j, carry):
            b = j % 3
            pltpu.make_async_copy(table.at[src_v.at[j]], rows_v.at[b],
                                  sem).wait()

            @pl.when(j + 2 < NCH)
            def _():
                pltpu.async_copy(table.at[src_v.at[j + 2]],
                                 rows_v.at[(j + 2) % 3], sem)

            pltpu.sync_copy(rows_v.at[b], acc_sh.at[dst_v.at[j]], add=True)
            return carry

        lax.fori_loop(0, NCH, chunk, 0)
        plsc.subcore_barrier()
        pltpu.sync_copy(acc_sh.at[pl.ds(r0, ROWS_PT)],
                        out.at[pl.ds(c * N_PAD + r0, ROWS_PT)])

    return pl.kernel(
        body,
        out_type=jax.ShapeDtypeStruct((NC * N_PAD, width), jnp.float32),
        mesh=plsc.VectorSubcoreMesh(core_axis_name="c", subcore_axis_name="s"),
        compiler_params=pltpu.CompilerParams(use_tc_tiling_on_sc=tc_tiling),
        scratch_types=[
            pltpu.VMEM((NCH, CHUNK), jnp.int32),
            pltpu.VMEM((NCH, CHUNK), jnp.int32),
            pltpu.VMEM((3, CHUNK, width), jnp.float32),
            pltpu.VMEM_SHARED((N_PAD, width), jnp.float32),
            pltpu.SemaphoreType.DMA,
        ],
    )


_segsum_d = _make_segsum(D, False)
_segsum_h = _make_segsum(H, False)


def _layer1_body(x_ref, parts_ref, eps_ref, w1a_ref, b1a_ref, w1b_ref,
                 b1b_ref, h1_ref):
    agg = parts_ref[0:N, :] + parts_ref[N_PAD:N_PAD + N, :]
    t = (1.0 + eps_ref[0, 0]) * x_ref[...] + agg
    m = jnp.maximum(jnp.dot(t, w1a_ref[...],
                            preferred_element_type=jnp.float32)
                    + b1a_ref[...], 0.0)
    h = jnp.dot(m, w1b_ref[...],
                preferred_element_type=jnp.float32) + b1b_ref[...]
    h1_ref[...] = jnp.maximum(h, 0.0)


def _final_body(h1_ref, parts_ref, eps_ref, w2a_ref, b2a_ref, w2b_ref,
                b2b_ref, batch_ref, wh_ref, bh_ref, hc_ref, pred_ref):
    agg = parts_ref[0:N, :] + parts_ref[N_PAD:N_PAD + N, :]
    t = (1.0 + eps_ref[0, 0]) * h1_ref[...] + agg
    m = jnp.maximum(jnp.dot(t, w2a_ref[...],
                            preferred_element_type=jnp.float32)
                    + b2a_ref[...], 0.0)
    h2 = jnp.dot(m, w2b_ref[...],
                 preferred_element_type=jnp.float32) + b2b_ref[...]
    gids = lax.broadcasted_iota(jnp.int32, (G, N), 0)
    oh = (gids == batch_ref[...]).astype(jnp.float32)
    sums = jnp.dot(oh, h2, preferred_element_type=jnp.float32,
                   precision=lax.Precision.HIGHEST)
    counts = jnp.sum(oh, axis=1, keepdims=True)
    hc = sums / jnp.maximum(counts, 1.0)
    hc_ref[...] = hc
    pred_ref[...] = jnp.dot(hc, wh_ref[...],
                            preferred_element_type=jnp.float32) + bh_ref[...]


def kernel(x, edge_index, batch, W1a, b1a, W1b, b1b, eps1, W2a, b2a, W2b, b2b,
           eps2, Wh, bh):
    f32 = jnp.float32
    src = edge_index[0]
    dst = edge_index[1]
    srcix = src.reshape(NW, NCH, CHUNK)
    dstix = dst.reshape(NW, NCH, CHUNK)
    parts1 = _segsum_d(x, srcix, dstix)

    smem_spec = pl.BlockSpec(memory_space=pltpu.SMEM)

    h1 = pl.pallas_call(
        _layer1_body,
        out_shape=jax.ShapeDtypeStruct((N, H), f32),
        in_specs=[pl.BlockSpec(), pl.BlockSpec(), smem_spec, pl.BlockSpec(),
                  pl.BlockSpec(), pl.BlockSpec(), pl.BlockSpec()],
    )(x, parts1, jnp.reshape(eps1, (1, 1)), W1a, b1a.reshape(1, H), W1b,
      b1b.reshape(1, H))

    parts2 = _segsum_h(h1, srcix, dstix)

    hc, pred = pl.pallas_call(
        _final_body,
        out_shape=(jax.ShapeDtypeStruct((G, H), f32),
                   jax.ShapeDtypeStruct((G, 1), f32)),
        in_specs=[pl.BlockSpec(), pl.BlockSpec(), smem_spec, pl.BlockSpec(),
                  pl.BlockSpec(), pl.BlockSpec(), pl.BlockSpec(),
                  pl.BlockSpec(), pl.BlockSpec(), pl.BlockSpec()],
    )(h1, parts2, jnp.reshape(eps2, (1, 1)), W2a, b2a.reshape(1, H), W2b,
      b2b.reshape(1, H), batch.reshape(1, N), Wh, bh.reshape(1, 1))

    return (hc, pred)

# --- scband reference (transcript-rebuilt; emitter-appended) ---
"""Pipeline reference for scband-baseline1-exp-model-1039382085815 (READ-ONLY COPY).

The authoritative reference and input builder live on the scoring server;
editing this copy changes nothing except your own understanding.
"""

import jax, jax.numpy as jnp
import numpy as np

N = 10000
E = 320000
D = 128
H = 64
G = 128


def _glorot(key, shape):
    fan_in = shape[0]
    return (jax.random.normal(key, shape, dtype=jnp.float32) / jnp.sqrt(jnp.float32(fan_in)))


def setup_inputs(seed: int = 0) -> dict:
    key = jax.random.key(seed)
    ks = jax.random.split(key, 16)
    x = jax.random.normal(ks[0], (N, D), dtype=jnp.float32)
    edge_index = jax.random.randint(ks[1], (2, E), 0, N, dtype=jnp.int32)
    batch = jnp.sort(jax.random.randint(ks[2], (N,), 0, G, dtype=jnp.int32))
    # GIN layer 1 MLP: D -> H -> H
    W1a = _glorot(ks[3], (D, H)); b1a = jnp.zeros((H,), jnp.float32)
    W1b = _glorot(ks[4], (H, H)); b1b = jnp.zeros((H,), jnp.float32)
    eps1 = jnp.zeros((), jnp.float32)
    # GIN layer 2 MLP: H -> H -> H
    W2a = _glorot(ks[5], (H, H)); b2a = jnp.zeros((H,), jnp.float32)
    W2b = _glorot(ks[6], (H, H)); b2b = jnp.zeros((H,), jnp.float32)
    eps2 = jnp.zeros((), jnp.float32)
    # exp head: H -> 1
    Wh = _glorot(ks[7], (H, 1)); bh = jnp.zeros((1,), jnp.float32)
    return {"x": x, "edge_index": edge_index, "batch": batch,
            "W1a": W1a, "b1a": b1a, "W1b": W1b, "b1b": b1b, "eps1": eps1,
            "W2a": W2a, "b2a": b2a, "W2b": W2b, "b2b": b2b, "eps2": eps2,
            "Wh": Wh, "bh": bh}


def _gin_conv(x, edge_index, eps, Wa, ba, Wb, bb):
    src = edge_index[0]
    dst = edge_index[1]
    # sum-aggregate neighbor messages (gather + scatter-add)
    agg = jax.ops.segment_sum(jnp.take(x, src, axis=0), dst, num_segments=x.shape[0])
    h = (1.0 + eps) * x + agg
    h = jnp.maximum(h @ Wa + ba, 0.0)
    h = h @ Wb + bb
    return h


def reference(x, edge_index, batch, W1a, b1a, W1b, b1b, eps1, W2a, b2a, W2b, b2b, eps2, Wh, bh):
    h = _gin_conv(x, edge_index, eps1, W1a, b1a, W1b, b1b)
    h = jnp.maximum(h, 0.0)
    h = _gin_conv(h, edge_index, eps2, W2a, b2a, W2b, b2b)
    # global mean pool per graph
    sums = jax.ops.segment_sum(h, batch, num_segments=G)
    counts = jax.ops.segment_sum(jnp.ones((h.shape[0], 1), jnp.float32), batch, num_segments=G)
    h_crystal = sums / jnp.maximum(counts, 1.0)
    pred_exp = h_crystal @ Wh + bh
    return (h_crystal, pred_exp)

if __name__ == "__main__":
    import jax
    _d = setup_inputs()
    print(jax.jit(kernel)(*tuple(_d.values())))

</pallas_src>

<mosaic_0001>
#map = affine_map<(d0, d1) -> (0, 0)>
#map1 = affine_map<(d0, d1) -> (0, 0, 0)>
module attributes {stable_mosaic.version = 14 : i64} {
  func.func @body(%arg0: i32, %arg1: i32, %arg2: memref<10000x64xf32, #tpu.memory_space<hbm>>, %arg3: memref<32x125x80xi32, #tpu.memory_space<hbm>>, %arg4: memref<32x125x80xi32, #tpu.memory_space<hbm>>, %arg5: memref<20000x64xf32, #tpu.memory_space<hbm>>, %arg6: memref<125x80xi32, #tpu.memory_space<vmem>>, %arg7: memref<125x80xi32, #tpu.memory_space<vmem>>, %arg8: memref<3x80x64xf32, #tpu.memory_space<vmem>>, %arg9: memref<10000x64xf32, #tpu.memory_space<vmem_shared>>, %arg10: memref<!tpu.dma_semaphore, #tpu.memory_space<semaphore_mem>>) attributes {dimension_semantics = [#tpu.dimension_semantics<core_parallel>, #tpu.dimension_semantics<subcore_parallel>], iteration_bounds = array<i64: 2, 16>, scalar_prefetch = 0 : i64, scratch_operands = 5 : i64, tpu.core_type = #tpu.core_type<sc_vector_subcore>, window_params = [{transform_indices = #map}, {transform_indices = #map1}, {transform_indices = #map1}, {transform_indices = #map}]} {
    %mul3A = arith.constant 16 : i32
    %mul3A_0 = arith.muli %arg0, %mul3A : i32
    %add3A = arith.addi %mul3A_0, %arg1 : i32
    %mul3A_1 = arith.constant 624 : i32
    %mul3A_2 = arith.muli %arg1, %mul3A_1 : i32
    %dma_start3A = arith.constant 0 : i32
    %dma_start3A_3 = arith.constant 0 : i32
    %dma_start3A_4 = tpu.memref_slice %arg3[%add3A, %dma_start3A, %dma_start3A_3] : memref<32x125x80xi32, #tpu.memory_space<hbm>> -> memref<1x125x80xi32, #tpu.memory_space<hbm>>
    %dma_start3A_5 = tpu.memref_squeeze %dma_start3A_4 : memref<1x125x80xi32, #tpu.memory_space<hbm>> -> memref<125x80xi32, #tpu.memory_space<hbm>>
    %dma_start3A_6 = arith.constant 0 : i32
    %dma_start3A_7 = arith.constant 0 : i32
    %dma_start3A_8 = tpu.memref_slice %arg3[%add3A, %dma_start3A_6, %dma_start3A_7] : memref<32x125x80xi32, #tpu.memory_space<hbm>> -> memref<1x125x80xi32, #tpu.memory_space<hbm>>
    %dma_start3A_9 = tpu.memref_squeeze %dma_start3A_8 : memref<1x125x80xi32, #tpu.memory_space<hbm>> -> memref<125x80xi32, #tpu.memory_space<hbm>>
    tpu.enqueue_dma source(%dma_start3A_9 : memref<125x80xi32, #tpu.memory_space<hbm>>) target(%arg6 : memref<125x80xi32, #tpu.memory_space<vmem>>) target_semaphore(%arg10 : memref<!tpu.dma_semaphore, #tpu.memory_space<semaphore_mem>>)
    %dma_start3A_10 = arith.constant 0 : i32
    %dma_start3A_11 = arith.constant 0 : i32
    %dma_start3A_12 = tpu.memref_slice %arg4[%add3A, %dma_start3A_10, %dma_start3A_11] : memref<32x125x80xi32, #tpu.memory_space<hbm>> -> memref<1x125x80xi32, #tpu.memory_space<hbm>>
    %dma_start3A_13 = tpu.memref_squeeze %dma_start3A_12 : memref<1x125x80xi32, #tpu.memory_space<hbm>> -> memref<125x80xi32, #tpu.memory_space<hbm>>
    %dma_start3A_14 = arith.constant 0 : i32
    %dma_start3A_15 = arith.constant 0 : i32
    %dma_start3A_16 = tpu.memref_slice %arg4[%add3A, %dma_start3A_14, %dma_start3A_15] : memref<32x125x80xi32, #tpu.memory_space<hbm>> -> memref<1x125x80xi32, #tpu.memory_space<hbm>>
    %dma_start3A_17 = tpu.memref_squeeze %dma_start3A_16 : memref<1x125x80xi32, #tpu.memory_space<hbm>> -> memref<125x80xi32, #tpu.memory_space<hbm>>
    tpu.enqueue_dma source(%dma_start3A_17 : memref<125x80xi32, #tpu.memory_space<hbm>>) target(%arg7 : memref<125x80xi32, #tpu.memory_space<vmem>>) target_semaphore(%arg10 : memref<!tpu.dma_semaphore, #tpu.memory_space<semaphore_mem>>)
    %broadcast_in_dim3A = arith.constant 0.000000e+00 : f32
    %broadcast_in_dim3A_18 = vector.broadcast %broadcast_in_dim3A : f32 to vector<16xf32>
    %scan3A = arith.constant 0 : i32
    %scan3A_19 = arith.constant 0 : i32
    %scan3A_20 = arith.constant 320 : i32
    %scan3A_21 = arith.addi %scan3A_19, %scan3A_20 : i32
    %scan3A_22 = arith.constant 1 : i32
    scf.for %scan3A_79 = %scan3A_19 to %scan3A_21 step %scan3A_22  : i32 {
      %jit3A = arith.constant 4 : i32
      %div3A = arith.divsi %scan3A_79, %jit3A : i32
      %sign3A = arith.constant 0 : i32
      %sign3A_80 = arith.cmpi sgt, %scan3A_79, %sign3A : i32
      %sign3A_81 = arith.extui %sign3A_80 : i1 to i32
      %sign3A_82 = arith.constant 0 : i32
      %sign3A_83 = arith.cmpi slt, %scan3A_79, %sign3A_82 : i32
      %sign3A_84 = arith.extui %sign3A_83 : i1 to i32
      %sign3A_85 = arith.subi %sign3A_81, %sign3A_84 : i32
      %sign3A_86 = arith.constant 0 : i32
      %sign3A_87 = arith.cmpi sgt, %jit3A, %sign3A_86 : i32
      %sign3A_88 = arith.extui %sign3A_87 : i1 to i32
      %sign3A_89 = arith.constant 0 : i32
      %sign3A_90 = arith.cmpi slt, %jit3A, %sign3A_89 : i32
      %sign3A_91 = arith.extui %sign3A_90 : i1 to i32
      %sign3A_92 = arith.subi %sign3A_88, %sign3A_91 : i32
      %ne3A = arith.cmpi ne, %sign3A_85, %sign3A_92 : i32
      %rem3A = arith.remsi %scan3A_79, %jit3A : i32
      %ne3A_93 = arith.constant 0 : i32
      %ne3A_94 = arith.cmpi ne, %rem3A, %ne3A_93 : i32
      %and3A = arith.andi %ne3A, %ne3A_94 : i1
      %sub3A = arith.constant 1 : i32
      %sub3A_95 = arith.subi %div3A, %sub3A : i32
      %select_n3A = arith.select %and3A, %sub3A_95, %div3A : i32
      %jit3A_96 = arith.constant 4 : i32
      %eq3A = arith.constant 0 : i32
      %eq3A_97 = arith.cmpi eq, %jit3A_96, %eq3A : i32
      %jit3A_98 = arith.constant 1 : i32
      %select_n3A_99 = arith.select %eq3A_97, %jit3A_98, %jit3A_96 : i32
      %rem3A_100 = arith.remsi %scan3A_79, %select_n3A_99 : i32
      %ne3A_101 = arith.constant 0 : i32
      %ne3A_102 = arith.cmpi ne, %rem3A_100, %ne3A_101 : i32
      %lt3A = arith.constant 0 : i32
      %lt3A_103 = arith.cmpi slt, %rem3A_100, %lt3A : i32
      %lt3A_104 = arith.constant 0 : i32
      %lt3A_105 = arith.cmpi slt, %select_n3A_99, %lt3A_104 : i32
      %ne3A_106 = arith.xori %lt3A_103, %lt3A_105 : i1
      %and3A_107 = arith.andi %ne3A_106, %ne3A_102 : i1
      %add3A_108 = arith.addi %rem3A_100, %select_n3A_99 : i32
      %select_n3A_109 = arith.select %and3A_107, %add3A_108, %rem3A_100 : i32
      %mul3A_110 = arith.constant 16 : i32
      %mul3A_111 = arith.muli %select_n3A_109, %mul3A_110 : i32
      %swap3A = arith.constant 0 : i32
      %swap3A_112 = arith.index_cast %swap3A : i32 to index
      %swap3A_113 = arith.index_cast %select_n3A : i32 to index
      %swap3A_114 = arith.index_cast %mul3A_111 : i32 to index
      %swap3A_115 = tpu.vector_load %arg8[%swap3A_112, %swap3A_113, %swap3A_114] {strides = array<i32>} : memref<3x80x64xf32, #tpu.memory_space<vmem>>, vector<1x1x16xf32>,
      %swap3A_116 = vector.shape_cast %swap3A_115 : vector<1x1x16xf32> to vector<16xf32>
      %swap3A_117 = vector.shape_cast %broadcast_in_dim3A_18 : vector<16xf32> to vector<1x1x16xf32>
      tpu.vector_store %arg8[%swap3A_112, %swap3A_113, %swap3A_114], %swap3A_117 {strides = array<i32>} : memref<3x80x64xf32, #tpu.memory_space<vmem>>, vector<1x1x16xf32>,
    }
    %scan3A_23 = arith.constant 320 : i32
    %scan3A_24 = arith.constant 0 : i32
    %scan3A_25 = arith.constant 0 : i32
    %scan3A_26 = arith.constant 8 : i32
    %scan3A_27 = arith.addi %scan3A_25, %scan3A_26 : i32
    %scan3A_28 = arith.constant 1 : i32
    scf.for %scan3A_79 = %scan3A_25 to %scan3A_27 step %scan3A_28  : i32 {
      %mul3A_80 = arith.constant 80 : i32
      %mul3A_81 = arith.muli %scan3A_79, %mul3A_80 : i32
      %add3A_82 = arith.addi %mul3A_2, %mul3A_81 : i32
      %run_scoped3A = arith.constant 0 : i32
      "tpu.region"() ({
        %run_scoped3A_83 = tpu.sem_alloc : memref<!tpu.dma_semaphore, #tpu.memory_space<semaphore_mem>>
        %dma_start3A_84 = arith.constant 0 : i32
        %dma_start3A_85 = arith.constant 0 : i32
        %dma_start3A_86 = tpu.memref_slice %arg8[%run_scoped3A, %dma_start3A_84, %dma_start3A_85] : memref<3x80x64xf32, #tpu.memory_space<vmem>> -> memref<1x80x64xf32, #tpu.memory_space<vmem>>
        %dma_start3A_87 = tpu.memref_squeeze %dma_start3A_86 : memref<1x80x64xf32, #tpu.memory_space<vmem>> -> memref<80x64xf32, #tpu.memory_space<vmem>>
        %dma_start3A_88 = arith.constant 0 : i32
        %dma_start3A_89 = tpu.memref_slice %arg9[%add3A_82, %dma_start3A_88] : memref<10000x64xf32, #tpu.memory_space<vmem_shared>> -> memref<80x64xf32, #tpu.memory_space<vmem_shared>>
        %dma_start3A_90 = arith.constant 0 : i32
        %dma_start3A_91 = tpu.memref_slice %arg9[%add3A_82, %dma_start3A_90] : memref<10000x64xf32, #tpu.memory_space<vmem_shared>> -> memref<80x64xf32, #tpu.memory_space<vmem_shared>>
        %dma_start3A_92 = arith.constant 0 : i32
        %dma_start3A_93 = arith.constant 0 : i32
        %dma_start3A_94 = tpu.memref_slice %arg8[%run_scoped3A, %dma_start3A_92, %dma_start3A_93] : memref<3x80x64xf32, #tpu.memory_space<vmem>> -> memref<1x80x64xf32, #tpu.memory_space<vmem>>
        %dma_start3A_95 = tpu.memref_squeeze %dma_start3A_94 : memref<1x80x64xf32, #tpu.memory_space<vmem>> -> memref<80x64xf32, #tpu.memory_space<vmem>>
        tpu.enqueue_dma source(%dma_start3A_95 : memref<80x64xf32, #tpu.memory_space<vmem>>) target(%dma_start3A_91 : memref<80x64xf32, #tpu.memory_space<vmem_shared>>) target_semaphore(%run_scoped3A_83 : memref<!tpu.dma_semaphore, #tpu.memory_space<semaphore_mem>>)
        %dma_wait3A_96 = arith.constant 0 : i32
        %dma_wait3A_97 = arith.constant 0 : i32
        %dma_wait3A_98 = tpu.memref_slice %arg8[%run_scoped3A, %dma_wait3A_96, %dma_wait3A_97] : memref<3x80x64xf32, #tpu.memory_space<vmem>> -> memref<1x80x64xf32, #tpu.memory_space<vmem>>
        %dma_wait3A_99 = tpu.memref_squeeze %dma_wait3A_98 : memref<1x80x64xf32, #tpu.memory_space<vmem>> -> memref<80x64xf32, #tpu.memory_space<vmem>>
        %dma_wait3A_100 = arith.constant 0 : i32
        %dma_wait3A_101 = tpu.memref_slice %arg9[%add3A_82, %dma_wait3A_100] : memref<10000x64xf32, #tpu.memory_space<vmem_shared>> -> memref<80x64xf32, #tpu.memory_space<vmem_shared>>
        %dma_wait3A_102 = arith.constant 0 : i32
        %dma_wait3A_103 = tpu.memref_slice %arg9[%add3A_82, %dma_wait3A_102] : memref<10000x64xf32, #tpu.memory_space<vmem_shared>> -> memref<80x64xf32, #tpu.memory_space<vmem_shared>>
        %dma_wait3A_104 = arith.constant 0 : i32
        %dma_wait3A_105 = arith.constant 0 : i32
        %dma_wait3A_106 = tpu.memref_slice %arg8[%run_scoped3A, %dma_wait3A_104, %dma_wait3A_105] : memref<3x80x64xf32, #tpu.memory_space<vmem>> -> memref<1x80x64xf32, #tpu.memory_space<vmem>>
        %dma_wait3A_107 = tpu.memref_squeeze %dma_wait3A_106 : memref<1x80x64xf32, #tpu.memory_space<vmem>> -> memref<80x64xf32, #tpu.memory_space<vmem>>
        tpu.wait_dma2 semaphore(%run_scoped3A_83 : memref<!tpu.dma_semaphore, #tpu.memory_space<semaphore_mem>>) src(%dma_wait3A_107 : memref<80x64xf32, #tpu.memory_space<vmem>>) dst(%dma_wait3A_103 : memref<80x64xf32, #tpu.memory_space<vmem_shared>>)
        tpu.yield
      }) : () -> ()
    }
    %scan3A_29 = arith.constant 8 : i32
    %dma_wait3A = arith.constant 0 : i32
    %dma_wait3A_30 = arith.constant 0 : i32
    %dma_wait3A_31 = tpu.memref_slice %arg3[%add3A, %dma_wait3A, %dma_wait3A_30] : memref<32x125x80xi32, #tpu.memory_space<hbm>> -> memref<1x125x80xi32, #tpu.memory_space<hbm>>
    %dma_wait3A_32 = tpu.memref_squeeze %dma_wait3A_31 : memref<1x125x80xi32, #tpu.memory_space<hbm>> -> memref<125x80xi32, #tpu.memory_space<hbm>>
    %dma_wait3A_33 = arith.constant 0 : i32
    %dma_wait3A_34 = arith.constant 0 : i32
    %dma_wait3A_35 = tpu.memref_slice %arg3[%add3A, %dma_wait3A_33, %dma_wait3A_34] : memref<32x125x80xi32, #tpu.memory_space<hbm>> -> memref<1x125x80xi32, #tpu.memory_space<hbm>>
    %dma_wait3A_36 = tpu.memref_squeeze %dma_wait3A_35 : memref<1x125x80xi32, #tpu.memory_space<hbm>> -> memref<125x80xi32, #tpu.memory_space<hbm>>
    tpu.wait_dma2 semaphore(%arg10 : memref<!tpu.dma_semaphore, #tpu.memory_space<semaphore_mem>>) src(%dma_wait3A_36 : memref<125x80xi32, #tpu.memory_space<hbm>>) dst(%arg6 : memref<125x80xi32, #tpu.memory_space<vmem>>)
    %dma_wait3A_37 = arith.constant 0 : i32
    %dma_wait3A_38 = arith.constant 0 : i32
    %dma_wait3A_39 = tpu.memref_slice %arg4[%add3A, %dma_wait3A_37, %dma_wait3A_38] : memref<32x125x80xi32, #tpu.memory_space<hbm>> -> memref<1x125x80xi32, #tpu.memory_space<hbm>>
    %dma_wait3A_40 = tpu.memref_squeeze %dma_wait3A_39 : memref<1x125x80xi32, #tpu.memory_space<hbm>> -> memref<125x80xi32, #tpu.memory_space<hbm>>
    %dma_wait3A_41 = arith.constant 0 : i32
    %dma_wait3A_42 = arith.constant 0 : i32
    %dma_wait3A_43 = tpu.memref_slice %arg4[%add3A, %dma_wait3A_41, %dma_wait3A_42] : memref<32x125x80xi32, #tpu.memory_space<hbm>> -> memref<1x125x80xi32, #tpu.memory_space<hbm>>
    %dma_wait3A_44 = tpu.memref_squeeze %dma_wait3A_43 : memref<1x125x80xi32, #tpu.memory_space<hbm>> -> memref<125x80xi32, #tpu.memory_space<hbm>>
    tpu.wait_dma2 semaphore(%arg10 : memref<!tpu.dma_semaphore, #tpu.memory_space<semaphore_mem>>) src(%dma_wait3A_44 : memref<125x80xi32, #tpu.memory_space<hbm>>) dst(%arg7 : memref<125x80xi32, #tpu.memory_space<vmem>>)
    %barrier3A = arith.constant 0 : index
    tpu.barrier barrier_id(%barrier3A)
    %dma_start3A_45 = arith.constant 0 : i32
    %dma_start3A_46 = arith.constant 0 : i32
    %dma_start3A_47 = arith.constant 0 : i32
    %dma_start3A_48 = arith.constant 0 : i32
    %dma_start3A_49 = tpu.memref_slice %arg8[%dma_start3A_46, %dma_start3A_47, %dma_start3A_48] : memref<3x80x64xf32, #tpu.memory_space<vmem>> -> memref<1x80x64xf32, #tpu.memory_space<vmem>>
    %dma_start3A_50 = tpu.memref_squeeze %dma_start3A_49 : memref<1x80x64xf32, #tpu.memory_space<vmem>> -> memref<80x64xf32, #tpu.memory_space<vmem>>
    %dma_start3A_51 = arith.constant 0 : i32
    %dma_start3A_52 = tpu.memref_slice %arg6[%dma_start3A_45, %dma_start3A_51] : memref<125x80xi32, #tpu.memory_space<vmem>> -> memref<1x80xi32, #tpu.memory_space<vmem>>
    %dma_start3A_53 = tpu.memref_squeeze %dma_start3A_52 : memref<1x80xi32, #tpu.memory_space<vmem>> -> memref<80xi32, #tpu.memory_space<vmem>>
    %dma_start3A_54 = arith.constant 0 : i32
    %dma_start3A_55 = arith.constant 0 : i32
    %dma_start3A_56 = tpu.memref_slice %arg2[%dma_start3A_54, %dma_start3A_55] : memref<10000x64xf32, #tpu.memory_space<hbm>> -> memref<10000x64xf32, #tpu.memory_space<hbm>>
    tpu.enqueue_indirect_dma source(%dma_start3A_56 : memref<10000x64xf32, #tpu.memory_space<hbm>>) target(%dma_start3A_50 : memref<80x64xf32, #tpu.memory_space<vmem>>) offsets(%dma_start3A_53 : memref<80xi32, #tpu.memory_space<vmem>>) semaphore(%arg10 : memref<!tpu.dma_semaphore, #tpu.memory_space<semaphore_mem>>)
    %dma_start3A_57 = arith.constant 1 : i32
    %dma_start3A_58 = arith.constant 1 : i32
    %dma_start3A_59 = arith.constant 0 : i32
    %dma_start3A_60 = arith.constant 0 : i32
    %dma_start3A_61 = tpu.memref_slice %arg8[%dma_start3A_58, %dma_start3A_59, %dma_start3A_60] : memref<3x80x64xf32, #tpu.memory_space<vmem>> -> memref<1x80x64xf32, #tpu.memory_space<vmem>>
    %dma_start3A_62 = tpu.memref_squeeze %dma_start3A_61 : memref<1x80x64xf32, #tpu.memory_space<vmem>> -> memref<80x64xf32, #tpu.memory_space<vmem>>
    %dma_start3A_63 = arith.constant 0 : i32
    %dma_start3A_64 = tpu.memref_slice %arg6[%dma_start3A_57, %dma_start3A_63] : memref<125x80xi32, #tpu.memory_space<vmem>> -> memref<1x80xi32, #tpu.memory_space<vmem>>
    %dma_start3A_65 = tpu.memref_squeeze %dma_start3A_64 : memref<1x80xi32, #tpu.memory_space<vmem>> -> memref<80xi32, #tpu.memory_space<vmem>>
    %dma_start3A_66 = arith.constant 0 : i32
    %dma_start3A_67 = arith.constant 0 : i32
    %dma_start3A_68 = tpu.memref_slice %arg2[%dma_start3A_66, %dma_start3A_67] : memref<10000x64xf32, #tpu.memory_space<hbm>> -> memref<10000x64xf32, #tpu.memory_space<hbm>>
    tpu.enqueue_indirect_dma source(%dma_start3A_68 : memref<10000x64xf32, #tpu.memory_space<hbm>>) target(%dma_start3A_62 : memref<80x64xf32, #tpu.memory_space<vmem>>) offsets(%dma_start3A_65 : memref<80xi32, #tpu.memory_space<vmem>>) semaphore(%arg10 : memref<!tpu.dma_semaphore, #tpu.memory_space<semaphore_mem>>)
    %scan3A_69 = arith.constant 0 : i32
    %scan3A_70 = arith.constant 0 : i32
    %scan3A_71 = arith.constant 125 : i32
    %scan3A_72 = arith.addi %scan3A_70, %scan3A_71 : i32
    %scan3A_73 = arith.constant 1 : i32
    scf.for %scan3A_79 = %scan3A_70 to %scan3A_72 step %scan3A_73  : i32 {
      %jit3A = arith.constant 3 : i32
      %eq3A = arith.constant 0 : i32
      %eq3A_80 = arith.cmpi eq, %jit3A, %eq3A : i32
      %jit3A_81 = arith.constant 1 : i32
      %select_n3A = arith.select %eq3A_80, %jit3A_81, %jit3A : i32
      %rem3A = arith.remsi %scan3A_79, %select_n3A : i32
      %ne3A = arith.constant 0 : i32
      %ne3A_82 = arith.cmpi ne, %rem3A, %ne3A : i32
      %lt3A = arith.constant 0 : i32
      %lt3A_83 = arith.cmpi slt, %rem3A, %lt3A : i32
      %lt3A_84 = arith.constant 0 : i32
      %lt3A_85 = arith.cmpi slt, %select_n3A, %lt3A_84 : i32
      %ne3A_86 = arith.xori %lt3A_83, %lt3A_85 : i1
      %and3A = arith.andi %ne3A_86, %ne3A_82 : i1
      %add3A_87 = arith.addi %rem3A, %select_n3A : i32
      %select_n3A_88 = arith.select %and3A, %add3A_87, %rem3A : i32
      %dma_wait3A_89 = arith.constant 0 : i32
      %dma_wait3A_90 = arith.constant 0 : i32
      %dma_wait3A_91 = tpu.memref_slice %arg8[%select_n3A_88, %dma_wait3A_89, %dma_wait3A_90] : memref<3x80x64xf32, #tpu.memory_space<vmem>> -> memref<1x80x64xf32, #tpu.memory_space<vmem>>
      %dma_wait3A_92 = tpu.memref_squeeze %dma_wait3A_91 : memref<1x80x64xf32, #tpu.memory_space<vmem>> -> memref<80x64xf32, #tpu.memory_space<vmem>>
      %dma_wait3A_93 = arith.constant 0 : i32
      %dma_wait3A_94 = tpu.memref_slice %arg6[%scan3A_79, %dma_wait3A_93] : memref<125x80xi32, #tpu.memory_space<vmem>> -> memref<1x80xi32, #tpu.memory_space<vmem>>
      %dma_wait3A_95 = tpu.memref_squeeze %dma_wait3A_94 : memref<1x80xi32, #tpu.memory_space<vmem>> -> memref<80xi32, #tpu.memory_space<vmem>>
      %dma_wait3A_96 = arith.constant 0 : i32
      %dma_wait3A_97 = arith.constant 0 : i32
      %dma_wait3A_98 = tpu.memref_slice %arg2[%dma_wait3A_96, %dma_wait3A_97] : memref<10000x64xf32, #tpu.memory_space<hbm>> -> memref<10000x64xf32, #tpu.memory_space<hbm>>
      tpu.wait_indirect_dma semaphore(%arg10 : memref<!tpu.dma_semaphore, #tpu.memory_space<semaphore_mem>>) src(%dma_wait3A_98 : memref<10000x64xf32, #tpu.memory_space<hbm>>) dst(%dma_wait3A_92 : memref<80x64xf32, #tpu.memory_space<vmem>>)
      %add3A_99 = arith.constant 2 : i32
      %add3A_100 = arith.addi %scan3A_79, %add3A_99 : i32
      %lt3A_101 = arith.constant 125 : i32
      %lt3A_102 = arith.cmpi slt, %add3A_100, %lt3A_101 : i32
      %convert_element_type3A = arith.extui %lt3A_102 : i1 to i32
      %cond3A = arith.constant 0 : i32
      %cond3A_103 = arith.cmpi ne, %convert_element_type3A, %cond3A : i32
      scf.if %cond3A_103 {
        %add3A_104 = arith.constant 2 : i32
        %add3A_105 = arith.addi %scan3A_79, %add3A_104 : i32
        %add3A_106 = arith.constant 2 : i32
        %add3A_107 = arith.addi %scan3A_79, %add3A_106 : i32
        %jit3A_108 = arith.constant 3 : i32
        %eq3A_109 = arith.constant 0 : i32
        %eq3A_110 = arith.cmpi eq, %jit3A_108, %eq3A_109 : i32
        %jit3A_111 = arith.constant 1 : i32
        %select_n3A_112 = arith.select %eq3A_110, %jit3A_111, %jit3A_108 : i32
        %rem3A_113 = arith.remsi %add3A_107, %select_n3A_112 : i32
        %ne3A_114 = arith.constant 0 : i32
        %ne3A_115 = arith.cmpi ne, %rem3A_113, %ne3A_114 : i32
        %lt3A_116 = arith.constant 0 : i32
        %lt3A_117 = arith.cmpi slt, %rem3A_113, %lt3A_116 : i32
        %lt3A_118 = arith.constant 0 : i32
        %lt3A_119 = arith.cmpi slt, %select_n3A_112, %lt3A_118 : i32
        %ne3A_120 = arith.xori %lt3A_117, %lt3A_119 : i1
        %and3A_121 = arith.andi %ne3A_120, %ne3A_115 : i1
        %add3A_122 = arith.addi %rem3A_113, %select_n3A_112 : i32
        %select_n3A_123 = arith.select %and3A_121, %add3A_122, %rem3A_113 : i32
        %dma_start3A_124 = arith.constant 0 : i32
        %dma_start3A_125 = arith.constant 0 : i32
        %dma_start3A_126 = tpu.memref_slice %arg8[%select_n3A_123, %dma_start3A_124, %dma_start3A_125] : memref<3x80x64xf32, #tpu.memory_space<vmem>> -> memref<1x80x64xf32, #tpu.memory_space<vmem>>
        %dma_start3A_127 = tpu.memref_squeeze %dma_start3A_126 : memref<1x80x64xf32, #tpu.memory_space<vmem>> -> memref<80x64xf32, #tpu.memory_space<vmem>>
        %dma_start3A_128 = arith.constant 0 : i32
        %dma_start3A_129 = tpu.memref_slice %arg6[%add3A_105, %dma_start3A_128] : memref<125x80xi32, #tpu.memory_space<vmem>> -> memref<1x80xi32, #tpu.memory_space<vmem>>
        %dma_start3A_130 = tpu.memref_squeeze %dma_start3A_129 : memref<1x80xi32, #tpu.memory_space<vmem>> -> memref<80xi32, #tpu.memory_space<vmem>>
        %dma_start3A_131 = arith.constant 0 : i32
        %dma_start3A_132 = arith.constant 0 : i32
        %dma_start3A_133 = tpu.memref_slice %arg2[%dma_start3A_131, %dma_start3A_132] : memref<10000x64xf32, #tpu.memory_space<hbm>> -> memref<10000x64xf32, #tpu.memory_space<hbm>>
        tpu.enqueue_indirect_dma source(%dma_start3A_133 : memref<10000x64xf32, #tpu.memory_space<hbm>>) target(%dma_start3A_127 : memref<80x64xf32, #tpu.memory_space<vmem>>) offsets(%dma_start3A_130 : memref<80xi32, #tpu.memory_space<vmem>>) semaphore(%arg10 : memref<!tpu.dma_semaphore, #tpu.memory_space<semaphore_mem>>)
      } else {
      }
      "tpu.region"() ({
        %run_scoped3A = tpu.sem_alloc : memref<!tpu.dma_semaphore, #tpu.memory_space<semaphore_mem>>
        %dma_start3A_104 = arith.constant 0 : i32
        %dma_start3A_105 = arith.constant 0 : i32
        %dma_start3A_106 = tpu.memref_slice %arg8[%select_n3A_88, %dma_start3A_104, %dma_start3A_105] : memref<3x80x64xf32, #tpu.memory_space<vmem>> -> memref<1x80x64xf32, #tpu.memory_space<vmem>>
        %dma_start3A_107 = tpu.memref_squeeze %dma_start3A_106 : memref<1x80x64xf32, #tpu.memory_space<vmem>> -> memref<80x64xf32, #tpu.memory_space<vmem>>
        %dma_start3A_108 = arith.constant 0 : i32
        %dma_start3A_109 = tpu.memref_slice %arg7[%scan3A_79, %dma_start3A_108] : memref<125x80xi32, #tpu.memory_space<vmem>> -> memref<1x80xi32, #tpu.memory_space<vmem>>
        %dma_start3A_110 = tpu.memref_squeeze %dma_start3A_109 : memref<1x80xi32, #tpu.memory_space<vmem>> -> memref<80xi32, #tpu.memory_space<vmem>>
        %dma_start3A_111 = arith.constant 0 : i32
        %dma_start3A_112 = arith.constant 0 : i32
        %dma_start3A_113 = tpu.memref_slice %arg9[%dma_start3A_111, %dma_start3A_112] : memref<10000x64xf32, #tpu.memory_space<vmem_shared>> -> memref<10000x64xf32, #tpu.memory_space<vmem_shared>>
        tpu.enqueue_indirect_dma source(%dma_start3A_107 : memref<80x64xf32, #tpu.memory_space<vmem>>) target(%dma_start3A_113 : memref<10000x64xf32, #tpu.memory_space<vmem_shared>>) offsets(%dma_start3A_110 : memref<80xi32, #tpu.memory_space<vmem>>) semaphore(%run_scoped3A : memref<!tpu.dma_semaphore, #tpu.memory_space<semaphore_mem>>) {add = true}
        %dma_wait3A_114 = arith.constant 0 : i32
        %dma_wait3A_115 = arith.constant 0 : i32
        %dma_wait3A_116 = tpu.memref_slice %arg8[%select_n3A_88, %dma_wait3A_114, %dma_wait3A_115] : memref<3x80x64xf32, #tpu.memory_space<vmem>> -> memref<1x80x64xf32, #tpu.memory_space<vmem>>
        %dma_wait3A_117 = tpu.memref_squeeze %dma_wait3A_116 : memref<1x80x64xf32, #tpu.memory_space<vmem>> -> memref<80x64xf32, #tpu.memory_space<vmem>>
        %dma_wait3A_118 = arith.constant 0 : i32
        %dma_wait3A_119 = tpu.memref_slice %arg7[%scan3A_79, %dma_wait3A_118] : memref<125x80xi32, #tpu.memory_space<vmem>> -> memref<1x80xi32, #tpu.memory_space<vmem>>
        %dma_wait3A_120 = tpu.memref_squeeze %dma_wait3A_119 : memref<1x80xi32, #tpu.memory_space<vmem>> -> memref<80xi32, #tpu.memory_space<vmem>>
        %dma_wait3A_121 = arith.constant 0 : i32
        %dma_wait3A_122 = arith.constant 0 : i32
        %dma_wait3A_123 = tpu.memref_slice %arg9[%dma_wait3A_121, %dma_wait3A_122] : memref<10000x64xf32, #tpu.memory_space<vmem_shared>> -> memref<10000x64xf32, #tpu.memory_space<vmem_shared>>
        tpu.wait_indirect_dma semaphore(%run_scoped3A : memref<!tpu.dma_semaphore, #tpu.memory_space<semaphore_mem>>) src(%dma_wait3A_117 : memref<80x64xf32, #tpu.memory_space<vmem>>) dst(%dma_wait3A_123 : memref<10000x64xf32, #tpu.memory_space<vmem_shared>>)
        tpu.yield
      }) : () -> ()
    }
    %scan3A_74 = arith.constant 125 : i32
    %barrier3A_75 = arith.constant 0 : index
    tpu.barrier barrier_id(%barrier3A_75)
    %mul3A_76 = arith.constant 10000 : i32
    %mul3A_77 = arith.muli %arg0, %mul3A_76 : i32
    %add3A_78 = arith.addi %mul3A_77, %mul3A_2 : i32
    "tpu.region"() ({
      %run_scoped3A = tpu.sem_alloc : memref<!tpu.dma_semaphore, #tpu.memory_space<semaphore_mem>>
      %dma_start3A_79 = arith.constant 0 : i32
      %dma_start3A_80 = tpu.memref_slice %arg5[%add3A_78, %dma_start3A_79] : memref<20000x64xf32, #tpu.memory_space<hbm>> -> memref<640x64xf32, #tpu.memory_space<hbm>>
      %dma_start3A_81 = arith.constant 0 : i32
      %dma_start3A_82 = tpu.memref_slice %arg9[%mul3A_2, %dma_start3A_81] : memref<10000x64xf32, #tpu.memory_space<vmem_shared>> -> memref<640x64xf32, #tpu.memory_space<vmem_shared>>
      tpu.enqueue_dma source(%dma_start3A_82 : memref<640x64xf32, #tpu.memory_space<vmem_shared>>) target(%dma_start3A_80 : memref<640x64xf32, #tpu.memory_space<hbm>>) target_semaphore(%run_scoped3A : memref<!tpu.dma_semaphore, #tpu.memory_space<semaphore_mem>>)
      %dma_wait3A_83 = arith.constant 0 : i32
      %dma_wait3A_84 = tpu.memref_slice %arg5[%add3A_78, %dma_wait3A_83] : memref<20000x64xf32, #tpu.memory_space<hbm>> -> memref<640x64xf32, #tpu.memory_space<hbm>>
      %dma_wait3A_85 = arith.constant 0 : i32
      %dma_wait3A_86 = tpu.memref_slice %arg9[%mul3A_2, %dma_wait3A_85] : memref<10000x64xf32, #tpu.memory_space<vmem_shared>> -> memref<640x64xf32, #tpu.memory_space<vmem_shared>>
      tpu.wait_dma2 semaphore(%run_scoped3A : memref<!tpu.dma_semaphore, #tpu.memory_space<semaphore_mem>>) src(%dma_wait3A_86 : memref<640x64xf32, #tpu.memory_space<vmem_shared>>) dst(%dma_wait3A_84 : memref<640x64xf32, #tpu.memory_space<hbm>>)
      tpu.yield
    }) : () -> ()
    return
  }
}

#map = affine_map<(d0, d1) -> (0, 0)>
#map1 = affine_map<(d0, d1) -> (0, 0, 0)>
module attributes {stable_mosaic.version = 14 : i64} {
  func.func @body(%arg0: i32, %arg1: i32, %arg2: memref<10000x128xf32, #tpu.memory_space<hbm>>, %arg3: memref<32x125x80xi32, #tpu.memory_space<hbm>>, %arg4: memref<32x125x80xi32, #tpu.memory_space<hbm>>, %arg5: memref<20000x128xf32, #tpu.memory_space<hbm>>, %arg6: memref<125x80xi32, #tpu.memory_space<vmem>>, %arg7: memref<125x80xi32, #tpu.memory_space<vmem>>, %arg8: memref<3x80x128xf32, #tpu.memory_space<vmem>>, %arg9: memref<10000x128xf32, #tpu.memory_space<vmem_shared>>, %arg10: memref<!tpu.dma_semaphore, #tpu.memory_space<semaphore_mem>>) attributes {dimension_semantics = [#tpu.dimension_semantics<core_parallel>, #tpu.dimension_semantics<subcore_parallel>], iteration_bounds = array<i64: 2, 16>, scalar_prefetch = 0 : i64, scratch_operands = 5 : i64, tpu.core_type = #tpu.core_type<sc_vector_subcore>, window_params = [{transform_indices = #map}, {transform_indices = #map1}, {transform_indices = #map1}, {transform_indices = #map}]} {
    %mul3A = arith.constant 16 : i32
    %mul3A_0 = arith.muli %arg0, %mul3A : i32
    %add3A = arith.addi %mul3A_0, %arg1 : i32
    %mul3A_1 = arith.constant 624 : i32
    %mul3A_2 = arith.muli %arg1, %mul3A_1 : i32
    %dma_start3A = arith.constant 0 : i32
    %dma_start3A_3 = arith.constant 0 : i32
    %dma_start3A_4 = tpu.memref_slice %arg3[%add3A, %dma_start3A, %dma_start3A_3] : memref<32x125x80xi32, #tpu.memory_space<hbm>> -> memref<1x125x80xi32, #tpu.memory_space<hbm>>
    %dma_start3A_5 = tpu.memref_squeeze %dma_start3A_4 : memref<1x125x80xi32, #tpu.memory_space<hbm>> -> memref<125x80xi32, #tpu.memory_space<hbm>>
    %dma_start3A_6 = arith.constant 0 : i32
    %dma_start3A_7 = arith.constant 0 : i32
    %dma_start3A_8 = tpu.memref_slice %arg3[%add3A, %dma_start3A_6, %dma_start3A_7] : memref<32x125x80xi32, #tpu.memory_space<hbm>> -> memref<1x125x80xi32, #tpu.memory_space<hbm>>
    %dma_start3A_9 = tpu.memref_squeeze %dma_start3A_8 : memref<1x125x80xi32, #tpu.memory_space<hbm>> -> memref<125x80xi32, #tpu.memory_space<hbm>>
    tpu.enqueue_dma source(%dma_start3A_9 : memref<125x80xi32, #tpu.memory_space<hbm>>) target(%arg6 : memref<125x80xi32, #tpu.memory_space<vmem>>) target_semaphore(%arg10 : memref<!tpu.dma_semaphore, #tpu.memory_space<semaphore_mem>>)
    %dma_start3A_10 = arith.constant 0 : i32
    %dma_start3A_11 = arith.constant 0 : i32
    %dma_start3A_12 = tpu.memref_slice %arg4[%add3A, %dma_start3A_10, %dma_start3A_11] : memref<32x125x80xi32, #tpu.memory_space<hbm>> -> memref<1x125x80xi32, #tpu.memory_space<hbm>>
    %dma_start3A_13 = tpu.memref_squeeze %dma_start3A_12 : memref<1x125x80xi32, #tpu.memory_space<hbm>> -> memref<125x80xi32, #tpu.memory_space<hbm>>
    %dma_start3A_14 = arith.constant 0 : i32
    %dma_start3A_15 = arith.constant 0 : i32
    %dma_start3A_16 = tpu.memref_slice %arg4[%add3A, %dma_start3A_14, %dma_start3A_15] : memref<32x125x80xi32, #tpu.memory_space<hbm>> -> memref<1x125x80xi32, #tpu.memory_space<hbm>>
    %dma_start3A_17 = tpu.memref_squeeze %dma_start3A_16 : memref<1x125x80xi32, #tpu.memory_space<hbm>> -> memref<125x80xi32, #tpu.memory_space<hbm>>
    tpu.enqueue_dma source(%dma_start3A_17 : memref<125x80xi32, #tpu.memory_space<hbm>>) target(%arg7 : memref<125x80xi32, #tpu.memory_space<vmem>>) target_semaphore(%arg10 : memref<!tpu.dma_semaphore, #tpu.memory_space<semaphore_mem>>)
    %broadcast_in_dim3A = arith.constant 0.000000e+00 : f32
    %broadcast_in_dim3A_18 = vector.broadcast %broadcast_in_dim3A : f32 to vector<16xf32>
    %scan3A = arith.constant 0 : i32
    %scan3A_19 = arith.constant 0 : i32
    %scan3A_20 = arith.constant 640 : i32
    %scan3A_21 = arith.addi %scan3A_19, %scan3A_20 : i32
    %scan3A_22 = arith.constant 1 : i32
    scf.for %scan3A_79 = %scan3A_19 to %scan3A_21 step %scan3A_22  : i32 {
      %jit3A = arith.constant 8 : i32
      %div3A = arith.divsi %scan3A_79, %jit3A : i32
      %sign3A = arith.constant 0 : i32
      %sign3A_80 = arith.cmpi sgt, %scan3A_79, %sign3A : i32
      %sign3A_81 = arith.extui %sign3A_80 : i1 to i32
      %sign3A_82 = arith.constant 0 : i32
      %sign3A_83 = arith.cmpi slt, %scan3A_79, %sign3A_82 : i32
      %sign3A_84 = arith.extui %sign3A_83 : i1 to i32
      %sign3A_85 = arith.subi %sign3A_81, %sign3A_84 : i32
      %sign3A_86 = arith.constant 0 : i32
      %sign3A_87 = arith.cmpi sgt, %jit3A, %sign3A_86 : i32
      %sign3A_88 = arith.extui %sign3A_87 : i1 to i32
      %sign3A_89 = arith.constant 0 : i32
      %sign3A_90 = arith.cmpi slt, %jit3A, %sign3A_89 : i32
      %sign3A_91 = arith.extui %sign3A_90 : i1 to i32
      %sign3A_92 = arith.subi %sign3A_88, %sign3A_91 : i32
      %ne3A = arith.cmpi ne, %sign3A_85, %sign3A_92 : i32
      %rem3A = arith.remsi %scan3A_79, %jit3A : i32
      %ne3A_93 = arith.constant 0 : i32
      %ne3A_94 = arith.cmpi ne, %rem3A, %ne3A_93 : i32
      %and3A = arith.andi %ne3A, %ne3A_94 : i1
      %sub3A = arith.constant 1 : i32
      %sub3A_95 = arith.subi %div3A, %sub3A : i32
      %select_n3A = arith.select %and3A, %sub3A_95, %div3A : i32
      %jit3A_96 = arith.constant 8 : i32
      %eq3A = arith.constant 0 : i32
      %eq3A_97 = arith.cmpi eq, %jit3A_96, %eq3A : i32
      %jit3A_98 = arith.constant 1 : i32
      %select_n3A_99 = arith.select %eq3A_97, %jit3A_98, %jit3A_96 : i32
      %rem3A_100 = arith.remsi %scan3A_79, %select_n3A_99 : i32
      %ne3A_101 = arith.constant 0 : i32
      %ne3A_102 = arith.cmpi ne, %rem3A_100, %ne3A_101 : i32
      %lt3A = arith.constant 0 : i32
      %lt3A_103 = arith.cmpi slt, %rem3A_100, %lt3A : i32
      %lt3A_104 = arith.constant 0 : i32
      %lt3A_105 = arith.cmpi slt, %select_n3A_99, %lt3A_104 : i32
      %ne3A_106 = arith.xori %lt3A_103, %lt3A_105 : i1
      %and3A_107 = arith.andi %ne3A_106, %ne3A_102 : i1
      %add3A_108 = arith.addi %rem3A_100, %select_n3A_99 : i32
      %select_n3A_109 = arith.select %and3A_107, %add3A_108, %rem3A_100 : i32
      %mul3A_110 = arith.constant 16 : i32
      %mul3A_111 = arith.muli %select_n3A_109, %mul3A_110 : i32
      %swap3A = arith.constant 0 : i32
      %swap3A_112 = arith.index_cast %swap3A : i32 to index
      %swap3A_113 = arith.index_cast %select_n3A : i32 to index
      %swap3A_114 = arith.index_cast %mul3A_111 : i32 to index
      %swap3A_115 = tpu.vector_load %arg8[%swap3A_112, %swap3A_113, %swap3A_114] {strides = array<i32>} : memref<3x80x128xf32, #tpu.memory_space<vmem>>, vector<1x1x16xf32>,
      %swap3A_116 = vector.shape_cast %swap3A_115 : vector<1x1x16xf32> to vector<16xf32>
      %swap3A_117 = vector.shape_cast %broadcast_in_dim3A_18 : vector<16xf32> to vector<1x1x16xf32>
      tpu.vector_store %arg8[%swap3A_112, %swap3A_113, %swap3A_114], %swap3A_117 {strides = array<i32>} : memref<3x80x128xf32, #tpu.memory_space<vmem>>, vector<1x1x16xf32>,
    }
    %scan3A_23 = arith.constant 640 : i32
    %scan3A_24 = arith.constant 0 : i32
    %scan3A_25 = arith.constant 0 : i32
    %scan3A_26 = arith.constant 8 : i32
    %scan3A_27 = arith.addi %scan3A_25, %scan3A_26 : i32
    %scan3A_28 = arith.constant 1 : i32
    scf.for %scan3A_79 = %scan3A_25 to %scan3A_27 step %scan3A_28  : i32 {
      %mul3A_80 = arith.constant 80 : i32
      %mul3A_81 = arith.muli %scan3A_79, %mul3A_80 : i32
      %add3A_82 = arith.addi %mul3A_2, %mul3A_81 : i32
      %run_scoped3A = arith.constant 0 : i32
      "tpu.region"() ({
        %run_scoped3A_83 = tpu.sem_alloc : memref<!tpu.dma_semaphore, #tpu.memory_space<semaphore_mem>>
        %dma_start3A_84 = arith.constant 0 : i32
        %dma_start3A_85 = arith.constant 0 : i32
        %dma_start3A_86 = tpu.memref_slice %arg8[%run_scoped3A, %dma_start3A_84, %dma_start3A_85] : memref<3x80x128xf32, #tpu.memory_space<vmem>> -> memref<1x80x128xf32, #tpu.memory_space<vmem>>
        %dma_start3A_87 = tpu.memref_squeeze %dma_start3A_86 : memref<1x80x128xf32, #tpu.memory_space<vmem>> -> memref<80x128xf32, #tpu.memory_space<vmem>>
        %dma_start3A_88 = arith.constant 0 : i32
        %dma_start3A_89 = tpu.memref_slice %arg9[%add3A_82, %dma_start3A_88] : memref<10000x128xf32, #tpu.memory_space<vmem_shared>> -> memref<80x128xf32, #tpu.memory_space<vmem_shared>>
        %dma_start3A_90 = arith.constant 0 : i32
        %dma_start3A_91 = tpu.memref_slice %arg9[%add3A_82, %dma_start3A_90] : memref<10000x128xf32, #tpu.memory_space<vmem_shared>> -> memref<80x128xf32, #tpu.memory_space<vmem_shared>>
        %dma_start3A_92 = arith.constant 0 : i32
        %dma_start3A_93 = arith.constant 0 : i32
        %dma_start3A_94 = tpu.memref_slice %arg8[%run_scoped3A, %dma_start3A_92, %dma_start3A_93] : memref<3x80x128xf32, #tpu.memory_space<vmem>> -> memref<1x80x128xf32, #tpu.memory_space<vmem>>
        %dma_start3A_95 = tpu.memref_squeeze %dma_start3A_94 : memref<1x80x128xf32, #tpu.memory_space<vmem>> -> memref<80x128xf32, #tpu.memory_space<vmem>>
        tpu.enqueue_dma source(%dma_start3A_95 : memref<80x128xf32, #tpu.memory_space<vmem>>) target(%dma_start3A_91 : memref<80x128xf32, #tpu.memory_space<vmem_shared>>) target_semaphore(%run_scoped3A_83 : memref<!tpu.dma_semaphore, #tpu.memory_space<semaphore_mem>>)
        %dma_wait3A_96 = arith.constant 0 : i32
        %dma_wait3A_97 = arith.constant 0 : i32
        %dma_wait3A_98 = tpu.memref_slice %arg8[%run_scoped3A, %dma_wait3A_96, %dma_wait3A_97] : memref<3x80x128xf32, #tpu.memory_space<vmem>> -> memref<1x80x128xf32, #tpu.memory_space<vmem>>
        %dma_wait3A_99 = tpu.memref_squeeze %dma_wait3A_98 : memref<1x80x128xf32, #tpu.memory_space<vmem>> -> memref<80x128xf32, #tpu.memory_space<vmem>>
        %dma_wait3A_100 = arith.constant 0 : i32
        %dma_wait3A_101 = tpu.memref_slice %arg9[%add3A_82, %dma_wait3A_100] : memref<10000x128xf32, #tpu.memory_space<vmem_shared>> -> memref<80x128xf32, #tpu.memory_space<vmem_shared>>
        %dma_wait3A_102 = arith.constant 0 : i32
        %dma_wait3A_103 = tpu.memref_slice %arg9[%add3A_82, %dma_wait3A_102] : memref<10000x128xf32, #tpu.memory_space<vmem_shared>> -> memref<80x128xf32, #tpu.memory_space<vmem_shared>>
        %dma_wait3A_104 = arith.constant 0 : i32
        %dma_wait3A_105 = arith.constant 0 : i32
        %dma_wait3A_106 = tpu.memref_slice %arg8[%run_scoped3A, %dma_wait3A_104, %dma_wait3A_105] : memref<3x80x128xf32, #tpu.memory_space<vmem>> -> memref<1x80x128xf32, #tpu.memory_space<vmem>>
        %dma_wait3A_107 = tpu.memref_squeeze %dma_wait3A_106 : memref<1x80x128xf32, #tpu.memory_space<vmem>> -> memref<80x128xf32, #tpu.memory_space<vmem>>
        tpu.wait_dma2 semaphore(%run_scoped3A_83 : memref<!tpu.dma_semaphore, #tpu.memory_space<semaphore_mem>>) src(%dma_wait3A_107 : memref<80x128xf32, #tpu.memory_space<vmem>>) dst(%dma_wait3A_103 : memref<80x128xf32, #tpu.memory_space<vmem_shared>>)
        tpu.yield
      }) : () -> ()
    }
    %scan3A_29 = arith.constant 8 : i32
    %dma_wait3A = arith.constant 0 : i32
    %dma_wait3A_30 = arith.constant 0 : i32
    %dma_wait3A_31 = tpu.memref_slice %arg3[%add3A, %dma_wait3A, %dma_wait3A_30] : memref<32x125x80xi32, #tpu.memory_space<hbm>> -> memref<1x125x80xi32, #tpu.memory_space<hbm>>
    %dma_wait3A_32 = tpu.memref_squeeze %dma_wait3A_31 : memref<1x125x80xi32, #tpu.memory_space<hbm>> -> memref<125x80xi32, #tpu.memory_space<hbm>>
    %dma_wait3A_33 = arith.constant 0 : i32
    %dma_wait3A_34 = arith.constant 0 : i32
    %dma_wait3A_35 = tpu.memref_slice %arg3[%add3A, %dma_wait3A_33, %dma_wait3A_34] : memref<32x125x80xi32, #tpu.memory_space<hbm>> -> memref<1x125x80xi32, #tpu.memory_space<hbm>>
    %dma_wait3A_36 = tpu.memref_squeeze %dma_wait3A_35 : memref<1x125x80xi32, #tpu.memory_space<hbm>> -> memref<125x80xi32, #tpu.memory_space<hbm>>
    tpu.wait_dma2 semaphore(%arg10 : memref<!tpu.dma_semaphore, #tpu.memory_space<semaphore_mem>>) src(%dma_wait3A_36 : memref<125x80xi32, #tpu.memory_space<hbm>>) dst(%arg6 : memref<125x80xi32, #tpu.memory_space<vmem>>)
    %dma_wait3A_37 = arith.constant 0 : i32
    %dma_wait3A_38 = arith.constant 0 : i32
    %dma_wait3A_39 = tpu.memref_slice %arg4[%add3A, %dma_wait3A_37, %dma_wait3A_38] : memref<32x125x80xi32, #tpu.memory_space<hbm>> -> memref<1x125x80xi32, #tpu.memory_space<hbm>>
    %dma_wait3A_40 = tpu.memref_squeeze %dma_wait3A_39 : memref<1x125x80xi32, #tpu.memory_space<hbm>> -> memref<125x80xi32, #tpu.memory_space<hbm>>
    %dma_wait3A_41 = arith.constant 0 : i32
    %dma_wait3A_42 = arith.constant 0 : i32
    %dma_wait3A_43 = tpu.memref_slice %arg4[%add3A, %dma_wait3A_41, %dma_wait3A_42] : memref<32x125x80xi32, #tpu.memory_space<hbm>> -> memref<1x125x80xi32, #tpu.memory_space<hbm>>
    %dma_wait3A_44 = tpu.memref_squeeze %dma_wait3A_43 : memref<1x125x80xi32, #tpu.memory_space<hbm>> -> memref<125x80xi32, #tpu.memory_space<hbm>>
    tpu.wait_dma2 semaphore(%arg10 : memref<!tpu.dma_semaphore, #tpu.memory_space<semaphore_mem>>) src(%dma_wait3A_44 : memref<125x80xi32, #tpu.memory_space<hbm>>) dst(%arg7 : memref<125x80xi32, #tpu.memory_space<vmem>>)
    %barrier3A = arith.constant 0 : index
    tpu.barrier barrier_id(%barrier3A)
    %dma_start3A_45 = arith.constant 0 : i32
    %dma_start3A_46 = arith.constant 0 : i32
    %dma_start3A_47 = arith.constant 0 : i32
    %dma_start3A_48 = arith.constant 0 : i32
    %dma_start3A_49 = tpu.memref_slice %arg8[%dma_start3A_46, %dma_start3A_47, %dma_start3A_48] : memref<3x80x128xf32, #tpu.memory_space<vmem>> -> memref<1x80x128xf32, #tpu.memory_space<vmem>>
    %dma_start3A_50 = tpu.memref_squeeze %dma_start3A_49 : memref<1x80x128xf32, #tpu.memory_space<vmem>> -> memref<80x128xf32, #tpu.memory_space<vmem>>
    %dma_start3A_51 = arith.constant 0 : i32
    %dma_start3A_52 = tpu.memref_slice %arg6[%dma_start3A_45, %dma_start3A_51] : memref<125x80xi32, #tpu.memory_space<vmem>> -> memref<1x80xi32, #tpu.memory_space<vmem>>
    %dma_start3A_53 = tpu.memref_squeeze %dma_start3A_52 : memref<1x80xi32, #tpu.memory_space<vmem>> -> memref<80xi32, #tpu.memory_space<vmem>>
    %dma_start3A_54 = arith.constant 0 : i32
    %dma_start3A_55 = arith.constant 0 : i32
    %dma_start3A_56 = tpu.memref_slice %arg2[%dma_start3A_54, %dma_start3A_55] : memref<10000x128xf32, #tpu.memory_space<hbm>> -> memref<10000x128xf32, #tpu.memory_space<hbm>>
    tpu.enqueue_indirect_dma source(%dma_start3A_56 : memref<10000x128xf32, #tpu.memory_space<hbm>>) target(%dma_start3A_50 : memref<80x128xf32, #tpu.memory_space<vmem>>) offsets(%dma_start3A_53 : memref<80xi32, #tpu.memory_space<vmem>>) semaphore(%arg10 : memref<!tpu.dma_semaphore, #tpu.memory_space<semaphore_mem>>)
    %dma_start3A_57 = arith.constant 1 : i32
    %dma_start3A_58 = arith.constant 1 : i32
    %dma_start3A_59 = arith.constant 0 : i32
    %dma_start3A_60 = arith.constant 0 : i32
    %dma_start3A_61 = tpu.memref_slice %arg8[%dma_start3A_58, %dma_start3A_59, %dma_start3A_60] : memref<3x80x128xf32, #tpu.memory_space<vmem>> -> memref<1x80x128xf32, #tpu.memory_space<vmem>>
    %dma_start3A_62 = tpu.memref_squeeze %dma_start3A_61 : memref<1x80x128xf32, #tpu.memory_space<vmem>> -> memref<80x128xf32, #tpu.memory_space<vmem>>
    %dma_start3A_63 = arith.constant 0 : i32
    %dma_start3A_64 = tpu.memref_slice %arg6[%dma_start3A_57, %dma_start3A_63] : memref<125x80xi32, #tpu.memory_space<vmem>> -> memref<1x80xi32, #tpu.memory_space<vmem>>
    %dma_start3A_65 = tpu.memref_squeeze %dma_start3A_64 : memref<1x80xi32, #tpu.memory_space<vmem>> -> memref<80xi32, #tpu.memory_space<vmem>>
    %dma_start3A_66 = arith.constant 0 : i32
    %dma_start3A_67 = arith.constant 0 : i32
    %dma_start3A_68 = tpu.memref_slice %arg2[%dma_start3A_66, %dma_start3A_67] : memref<10000x128xf32, #tpu.memory_space<hbm>> -> memref<10000x128xf32, #tpu.memory_space<hbm>>
    tpu.enqueue_indirect_dma source(%dma_start3A_68 : memref<10000x128xf32, #tpu.memory_space<hbm>>) target(%dma_start3A_62 : memref<80x128xf32, #tpu.memory_space<vmem>>) offsets(%dma_start3A_65 : memref<80xi32, #tpu.memory_space<vmem>>) semaphore(%arg10 : memref<!tpu.dma_semaphore, #tpu.memory_space<semaphore_mem>>)
    %scan3A_69 = arith.constant 0 : i32
    %scan3A_70 = arith.constant 0 : i32
    %scan3A_71 = arith.constant 125 : i32
    %scan3A_72 = arith.addi %scan3A_70, %scan3A_71 : i32
    %scan3A_73 = arith.constant 1 : i32
    scf.for %scan3A_79 = %scan3A_70 to %scan3A_72 step %scan3A_73  : i32 {
      %jit3A = arith.constant 3 : i32
      %eq3A = arith.constant 0 : i32
      %eq3A_80 = arith.cmpi eq, %jit3A, %eq3A : i32
      %jit3A_81 = arith.constant 1 : i32
      %select_n3A = arith.select %eq3A_80, %jit3A_81, %jit3A : i32
      %rem3A = arith.remsi %scan3A_79, %select_n3A : i32
      %ne3A = arith.constant 0 : i32
      %ne3A_82 = arith.cmpi ne, %rem3A, %ne3A : i32
      %lt3A = arith.constant 0 : i32
      %lt3A_83 = arith.cmpi slt, %rem3A, %lt3A : i32
      %lt3A_84 = arith.constant 0 : i32
      %lt3A_85 = arith.cmpi slt, %select_n3A, %lt3A_84 : i32
      %ne3A_86 = arith.xori %lt3A_83, %lt3A_85 : i1
      %and3A = arith.andi %ne3A_86, %ne3A_82 : i1
      %add3A_87 = arith.addi %rem3A, %select_n3A : i32
      %select_n3A_88 = arith.select %and3A, %add3A_87, %rem3A : i32
      %dma_wait3A_89 = arith.constant 0 : i32
      %dma_wait3A_90 = arith.constant 0 : i32
      %dma_wait3A_91 = tpu.memref_slice %arg8[%select_n3A_88, %dma_wait3A_89, %dma_wait3A_90] : memref<3x80x128xf32, #tpu.memory_space<vmem>> -> memref<1x80x128xf32, #tpu.memory_space<vmem>>
      %dma_wait3A_92 = tpu.memref_squeeze %dma_wait3A_91 : memref<1x80x128xf32, #tpu.memory_space<vmem>> -> memref<80x128xf32, #tpu.memory_space<vmem>>
      %dma_wait3A_93 = arith.constant 0 : i32
      %dma_wait3A_94 = tpu.memref_slice %arg6[%scan3A_79, %dma_wait3A_93] : memref<125x80xi32, #tpu.memory_space<vmem>> -> memref<1x80xi32, #tpu.memory_space<vmem>>
      %dma_wait3A_95 = tpu.memref_squeeze %dma_wait3A_94 : memref<1x80xi32, #tpu.memory_space<vmem>> -> memref<80xi32, #tpu.memory_space<vmem>>
      %dma_wait3A_96 = arith.constant 0 : i32
      %dma_wait3A_97 = arith.constant 0 : i32
      %dma_wait3A_98 = tpu.memref_slice %arg2[%dma_wait3A_96, %dma_wait3A_97] : memref<10000x128xf32, #tpu.memory_space<hbm>> -> memref<10000x128xf32, #tpu.memory_space<hbm>>
      tpu.wait_indirect_dma semaphore(%arg10 : memref<!tpu.dma_semaphore, #tpu.memory_space<semaphore_mem>>) src(%dma_wait3A_98 : memref<10000x128xf32, #tpu.memory_space<hbm>>) dst(%dma_wait3A_92 : memref<80x128xf32, #tpu.memory_space<vmem>>)
      %add3A_99 = arith.constant 2 : i32
      %add3A_100 = arith.addi %scan3A_79, %add3A_99 : i32
      %lt3A_101 = arith.constant 125 : i32
      %lt3A_102 = arith.cmpi slt, %add3A_100, %lt3A_101 : i32
      %convert_element_type3A = arith.extui %lt3A_102 : i1 to i32
      %cond3A = arith.constant 0 : i32
      %cond3A_103 = arith.cmpi ne, %convert_element_type3A, %cond3A : i32
      scf.if %cond3A_103 {
        %add3A_104 = arith.constant 2 : i32
        %add3A_105 = arith.addi %scan3A_79, %add3A_104 : i32
        %add3A_106 = arith.constant 2 : i32
        %add3A_107 = arith.addi %scan3A_79, %add3A_106 : i32
        %jit3A_108 = arith.constant 3 : i32
        %eq3A_109 = arith.constant 0 : i32
        %eq3A_110 = arith.cmpi eq, %jit3A_108, %eq3A_109 : i32
        %jit3A_111 = arith.constant 1 : i32
        %select_n3A_112 = arith.select %eq3A_110, %jit3A_111, %jit3A_108 : i32
        %rem3A_113 = arith.remsi %add3A_107, %select_n3A_112 : i32
        %ne3A_114 = arith.constant 0 : i32
        %ne3A_115 = arith.cmpi ne, %rem3A_113, %ne3A_114 : i32
        %lt3A_116 = arith.constant 0 : i32
        %lt3A_117 = arith.cmpi slt, %rem3A_113, %lt3A_116 : i32
        %lt3A_118 = arith.constant 0 : i32
        %lt3A_119 = arith.cmpi slt, %select_n3A_112, %lt3A_118 : i32
        %ne3A_120 = arith.xori %lt3A_117, %lt3A_119 : i1
        %and3A_121 = arith.andi %ne3A_120, %ne3A_115 : i1
        %add3A_122 = arith.addi %rem3A_113, %select_n3A_112 : i32
        %select_n3A_123 = arith.select %and3A_121, %add3A_122, %rem3A_113 : i32
        %dma_start3A_124 = arith.constant 0 : i32
        %dma_start3A_125 = arith.constant 0 : i32
        %dma_start3A_126 = tpu.memref_slice %arg8[%select_n3A_123, %dma_start3A_124, %dma_start3A_125] : memref<3x80x128xf32, #tpu.memory_space<vmem>> -> memref<1x80x128xf32, #tpu.memory_space<vmem>>
        %dma_start3A_127 = tpu.memref_squeeze %dma_start3A_126 : memref<1x80x128xf32, #tpu.memory_space<vmem>> -> memref<80x128xf32, #tpu.memory_space<vmem>>
        %dma_start3A_128 = arith.constant 0 : i32
        %dma_start3A_129 = tpu.memref_slice %arg6[%add3A_105, %dma_start3A_128] : memref<125x80xi32, #tpu.memory_space<vmem>> -> memref<1x80xi32, #tpu.memory_space<vmem>>
        %dma_start3A_130 = tpu.memref_squeeze %dma_start3A_129 : memref<1x80xi32, #tpu.memory_space<vmem>> -> memref<80xi32, #tpu.memory_space<vmem>>
        %dma_start3A_131 = arith.constant 0 : i32
        %dma_start3A_132 = arith.constant 0 : i32
        %dma_start3A_133 = tpu.memref_slice %arg2[%dma_start3A_131, %dma_start3A_132] : memref<10000x128xf32, #tpu.memory_space<hbm>> -> memref<10000x128xf32, #tpu.memory_space<hbm>>
        tpu.enqueue_indirect_dma source(%dma_start3A_133 : memref<10000x128xf32, #tpu.memory_space<hbm>>) target(%dma_start3A_127 : memref<80x128xf32, #tpu.memory_space<vmem>>) offsets(%dma_start3A_130 : memref<80xi32, #tpu.memory_space<vmem>>) semaphore(%arg10 : memref<!tpu.dma_semaphore, #tpu.memory_space<semaphore_mem>>)
      } else {
      }
      "tpu.region"() ({
        %run_scoped3A = tpu.sem_alloc : memref<!tpu.dma_semaphore, #tpu.memory_space<semaphore_mem>>
        %dma_start3A_104 = arith.constant 0 : i32
        %dma_start3A_105 = arith.constant 0 : i32
        %dma_start3A_106 = tpu.memref_slice %arg8[%select_n3A_88, %dma_start3A_104, %dma_start3A_105] : memref<3x80x128xf32, #tpu.memory_space<vmem>> -> memref<1x80x128xf32, #tpu.memory_space<vmem>>
        %dma_start3A_107 = tpu.memref_squeeze %dma_start3A_106 : memref<1x80x128xf32, #tpu.memory_space<vmem>> -> memref<80x128xf32, #tpu.memory_space<vmem>>
        %dma_start3A_108 = arith.constant 0 : i32
        %dma_start3A_109 = tpu.memref_slice %arg7[%scan3A_79, %dma_start3A_108] : memref<125x80xi32, #tpu.memory_space<vmem>> -> memref<1x80xi32, #tpu.memory_space<vmem>>
        %dma_start3A_110 = tpu.memref_squeeze %dma_start3A_109 : memref<1x80xi32, #tpu.memory_space<vmem>> -> memref<80xi32, #tpu.memory_space<vmem>>
        %dma_start3A_111 = arith.constant 0 : i32
        %dma_start3A_112 = arith.constant 0 : i32
        %dma_start3A_113 = tpu.memref_slice %arg9[%dma_start3A_111, %dma_start3A_112] : memref<10000x128xf32, #tpu.memory_space<vmem_shared>> -> memref<10000x128xf32, #tpu.memory_space<vmem_shared>>
        tpu.enqueue_indirect_dma source(%dma_start3A_107 : memref<80x128xf32, #tpu.memory_space<vmem>>) target(%dma_start3A_113 : memref<10000x128xf32, #tpu.memory_space<vmem_shared>>) offsets(%dma_start3A_110 : memref<80xi32, #tpu.memory_space<vmem>>) semaphore(%run_scoped3A : memref<!tpu.dma_semaphore, #tpu.memory_space<semaphore_mem>>) {add = true}
        %dma_wait3A_114 = arith.constant 0 : i32
        %dma_wait3A_115 = arith.constant 0 : i32
        %dma_wait3A_116 = tpu.memref_slice %arg8[%select_n3A_88, %dma_wait3A_114, %dma_wait3A_115] : memref<3x80x128xf32, #tpu.memory_space<vmem>> -> memref<1x80x128xf32, #tpu.memory_space<vmem>>
        %dma_wait3A_117 = tpu.memref_squeeze %dma_wait3A_116 : memref<1x80x128xf32, #tpu.memory_space<vmem>> -> memref<80x128xf32, #tpu.memory_space<vmem>>
        %dma_wait3A_118 = arith.constant 0 : i32
        %dma_wait3A_119 = tpu.memref_slice %arg7[%scan3A_79, %dma_wait3A_118] : memref<125x80xi32, #tpu.memory_space<vmem>> -> memref<1x80xi32, #tpu.memory_space<vmem>>
        %dma_wait3A_120 = tpu.memref_squeeze %dma_wait3A_119 : memref<1x80xi32, #tpu.memory_space<vmem>> -> memref<80xi32, #tpu.memory_space<vmem>>
        %dma_wait3A_121 = arith.constant 0 : i32
        %dma_wait3A_122 = arith.constant 0 : i32
        %dma_wait3A_123 = tpu.memref_slice %arg9[%dma_wait3A_121, %dma_wait3A_122] : memref<10000x128xf32, #tpu.memory_space<vmem_shared>> -> memref<10000x128xf32, #tpu.memory_space<vmem_shared>>
        tpu.wait_indirect_dma semaphore(%run_scoped3A : memref<!tpu.dma_semaphore, #tpu.memory_space<semaphore_mem>>) src(%dma_wait3A_117 : memref<80x128xf32, #tpu.memory_space<vmem>>) dst(%dma_wait3A_123 : memref<10000x128xf32, #tpu.memory_space<vmem_shared>>)
        tpu.yield
      }) : () -> ()
    }
    %scan3A_74 = arith.constant 125 : i32
    %barrier3A_75 = arith.constant 0 : index
    tpu.barrier barrier_id(%barrier3A_75)
    %mul3A_76 = arith.constant 10000 : i32
    %mul3A_77 = arith.muli %arg0, %mul3A_76 : i32
    %add3A_78 = arith.addi %mul3A_77, %mul3A_2 : i32
    "tpu.region"() ({
      %run_scoped3A = tpu.sem_alloc : memref<!tpu.dma_semaphore, #tpu.memory_space<semaphore_mem>>
      %dma_start3A_79 = arith.constant 0 : i32
      %dma_start3A_80 = tpu.memref_slice %arg5[%add3A_78, %dma_start3A_79] : memref<20000x128xf32, #tpu.memory_space<hbm>> -> memref<640x128xf32, #tpu.memory_space<hbm>>
      %dma_start3A_81 = arith.constant 0 : i32
      %dma_start3A_82 = tpu.memref_slice %arg9[%mul3A_2, %dma_start3A_81] : memref<10000x128xf32, #tpu.memory_space<vmem_shared>> -> memref<640x128xf32, #tpu.memory_space<vmem_shared>>
      tpu.enqueue_dma source(%dma_start3A_82 : memref<640x128xf32, #tpu.memory_space<vmem_shared>>) target(%dma_start3A_80 : memref<640x128xf32, #tpu.memory_space<hbm>>) target_semaphore(%run_scoped3A : memref<!tpu.dma_semaphore, #tpu.memory_space<semaphore_mem>>)
      %dma_wait3A_83 = arith.constant 0 : i32
      %dma_wait3A_84 = tpu.memref_slice %arg5[%add3A_78, %dma_wait3A_83] : memref<20000x128xf32, #tpu.memory_space<hbm>> -> memref<640x128xf32, #tpu.memory_space<hbm>>
      %dma_wait3A_85 = arith.constant 0 : i32
      %dma_wait3A_86 = tpu.memref_slice %arg9[%mul3A_2, %dma_wait3A_85] : memref<10000x128xf32, #tpu.memory_space<vmem_shared>> -> memref<640x128xf32, #tpu.memory_space<vmem_shared>>
      tpu.wait_dma2 semaphore(%run_scoped3A : memref<!tpu.dma_semaphore, #tpu.memory_space<semaphore_mem>>) src(%dma_wait3A_86 : memref<640x128xf32, #tpu.memory_space<vmem_shared>>) dst(%dma_wait3A_84 : memref<640x128xf32, #tpu.memory_space<hbm>>)
      tpu.yield
    }) : () -> ()
    return
  }
}

module attributes {stable_mosaic.version = 14 : i64} {
  func.func @_layer1_body(%arg0: memref<10000x128xf32, #tpu.memory_space<vmem>>, %arg1: memref<20000x128xf32, #tpu.memory_space<vmem>>, %arg2: memref<1x1xf32, #tpu.memory_space<smem>>, %arg3: memref<128x64xf32, #tpu.memory_space<vmem>>, %arg4: memref<1x64xf32, #tpu.memory_space<vmem>>, %arg5: memref<64x64xf32, #tpu.memory_space<vmem>>, %arg6: memref<1x64xf32, #tpu.memory_space<vmem>>, %arg7: memref<10000x64xf32, #tpu.memory_space<vmem>>) attributes {dimension_semantics = [], scalar_prefetch = 0 : i64, scratch_operands = 0 : i64, tpu.core_type = #tpu.core_type<tc>} {
    %get3A = arith.constant 0 : index
    %get3A_0 = arith.constant 0 : index
    %get3A_1 = vector.load %arg1[%get3A, %get3A_0] : memref<20000x128xf32, #tpu.memory_space<vmem>>, vector<10000x128xf32>
    %get3A_2 = arith.constant 10000 : index
    %get3A_3 = arith.constant 0 : index
    %get3A_4 = vector.load %arg1[%get3A_2, %get3A_3] : memref<20000x128xf32, #tpu.memory_space<vmem>>, vector<10000x128xf32>
    %add3A = arith.addf %get3A_1, %get3A_4 : vector<10000x128xf32>
    %get3A_5 = arith.constant 0 : index
    %get3A_6 = arith.constant 0 : index
    %get3A_7 = memref.load %arg2[%get3A_5, %get3A_6] : memref<1x1xf32, #tpu.memory_space<smem>>
    %add3A_8 = arith.constant 1.000000e+00 : f32
    %add3A_9 = arith.addf %add3A_8, %get3A_7 : f32
    %get3A_10 = arith.constant 0 : index
    %get3A_11 = arith.constant 0 : index
    %get3A_12 = vector.load %arg0[%get3A_10, %get3A_11] : memref<10000x128xf32, #tpu.memory_space<vmem>>, vector<10000x128xf32>
    %mul3A = vector.broadcast %add3A_9 : f32 to vector<10000x128xf32>
    %mul3A_13 = arith.mulf %mul3A, %get3A_12 : vector<10000x128xf32>
    %add3A_14 = arith.addf %mul3A_13, %add3A : vector<10000x128xf32>
    %get3A_15 = arith.constant 0 : index
    %get3A_16 = arith.constant 0 : index
    %get3A_17 = vector.load %arg3[%get3A_15, %get3A_16] : memref<128x64xf32, #tpu.memory_space<vmem>>, vector<128x64xf32>
    %dot_general3A = arith.constant dense<0.000000e+00> : vector<10000x64xf32>
    %dot_general3A_18 = tpu.matmul %add3A_14, %get3A_17, %dot_general3A {dimension_numbers = #tpu.dot_dimension_numbers<[1], [0], [0], [1], [0, 0, 1, 1], [], []>, transpose_lhs_hint = false} : vector<10000x128xf32>, vector<128x64xf32>, vector<10000x64xf32> -> vector<10000x64xf32>
    %get3A_19 = arith.constant 0 : index
    %get3A_20 = arith.constant 0 : index
    %get3A_21 = vector.load %arg4[%get3A_19, %get3A_20] : memref<1x64xf32, #tpu.memory_space<vmem>>, vector<1x64xf32>
    %add3A_22 = vector.broadcast %get3A_21 : vector<1x64xf32> to vector<10000x64xf32>
    %add3A_23 = arith.addf %dot_general3A_18, %add3A_22 : vector<10000x64xf32>
    %max3A = arith.constant 0.000000e+00 : f32
    %max3A_24 = vector.broadcast %max3A : f32 to vector<10000x64xf32>
    %max3A_25 = arith.maximumf %add3A_23, %max3A_24 : vector<10000x64xf32>
    %get3A_26 = arith.constant 0 : index
    %get3A_27 = arith.constant 0 : index
    %get3A_28 = vector.load %arg5[%get3A_26, %get3A_27] : memref<64x64xf32, #tpu.memory_space<vmem>>, vector<64x64xf32>
    %dot_general3A_29 = arith.constant dense<0.000000e+00> : vector<10000x64xf32>
    %dot_general3A_30 = tpu.matmul %max3A_25, %get3A_28, %dot_general3A_29 {dimension_numbers = #tpu.dot_dimension_numbers<[1], [0], [0], [1], [0, 0, 1, 1], [], []>, transpose_lhs_hint = false} : vector<10000x64xf32>, vector<64x64xf32>, vector<10000x64xf32> -> vector<10000x64xf32>
    %get3A_31 = arith.constant 0 : index
    %get3A_32 = arith.constant 0 : index
    %get3A_33 = vector.load %arg6[%get3A_31, %get3A_32] : memref<1x64xf32, #tpu.memory_space<vmem>>, vector<1x64xf32>
    %add3A_34 = vector.broadcast %get3A_33 : vector<1x64xf32> to vector<10000x64xf32>
    %add3A_35 = arith.addf %dot_general3A_30, %add3A_34 : vector<10000x64xf32>
    %max3A_36 = arith.constant 0.000000e+00 : f32
    %max3A_37 = vector.broadcast %max3A_36 : f32 to vector<10000x64xf32>
    %max3A_38 = arith.maximumf %add3A_35, %max3A_37 : vector<10000x64xf32>
    %swap3A = arith.constant 0 : index
    %swap3A_39 = arith.constant 0 : index
    %swap3A_40 = vector.load %arg7[%swap3A, %swap3A_39] : memref<10000x64xf32, #tpu.memory_space<vmem>>, vector<10000x64xf32>
    tpu.vector_store %arg7[%swap3A, %swap3A_39], %max3A_38 {strides = array<i32>} : memref<10000x64xf32, #tpu.memory_space<vmem>>, vector<10000x64xf32>,
    return
  }
}

module attributes {stable_mosaic.version = 14 : i64} {
  func.func @_final_body(%arg0: memref<10000x64xf32, #tpu.memory_space<vmem>>, %arg1: memref<20000x64xf32, #tpu.memory_space<vmem>>, %arg2: memref<1x1xf32, #tpu.memory_space<smem>>, %arg3: memref<64x64xf32, #tpu.memory_space<vmem>>, %arg4: memref<1x64xf32, #tpu.memory_space<vmem>>, %arg5: memref<64x64xf32, #tpu.memory_space<vmem>>, %arg6: memref<1x64xf32, #tpu.memory_space<vmem>>, %arg7: memref<1x10000xi32, #tpu.memory_space<vmem>>, %arg8: memref<64x1xf32, #tpu.memory_space<vmem>>, %arg9: memref<1x1xf32, #tpu.memory_space<vmem>>, %arg10: memref<128x64xf32, #tpu.memory_space<vmem>>, %arg11: memref<128x1xf32, #tpu.memory_space<vmem>>) attributes {dimension_semantics = [], scalar_prefetch = 0 : i64, scratch_operands = 0 : i64, tpu.core_type = #tpu.core_type<tc>} {
    %get3A = arith.constant 0 : index
    %get3A_0 = arith.constant 0 : index
    %get3A_1 = vector.load %arg1[%get3A, %get3A_0] : memref<20000x64xf32, #tpu.memory_space<vmem>>, vector<10000x64xf32>
    %get3A_2 = arith.constant 10000 : index
    %get3A_3 = arith.constant 0 : index
    %get3A_4 = vector.load %arg1[%get3A_2, %get3A_3] : memref<20000x64xf32, #tpu.memory_space<vmem>>, vector<10000x64xf32>
    %add3A = arith.addf %get3A_1, %get3A_4 : vector<10000x64xf32>
    %get3A_5 = arith.constant 0 : index
    %get3A_6 = arith.constant 0 : index
    %get3A_7 = memref.load %arg2[%get3A_5, %get3A_6] : memref<1x1xf32, #tpu.memory_space<smem>>
    %add3A_8 = arith.constant 1.000000e+00 : f32
    %add3A_9 = arith.addf %add3A_8, %get3A_7 : f32
    %get3A_10 = arith.constant 0 : index
    %get3A_11 = arith.constant 0 : index
    %get3A_12 = vector.load %arg0[%get3A_10, %get3A_11] : memref<10000x64xf32, #tpu.memory_space<vmem>>, vector<10000x64xf32>
    %mul3A = vector.broadcast %add3A_9 : f32 to vector<10000x64xf32>
    %mul3A_13 = arith.mulf %mul3A, %get3A_12 : vector<10000x64xf32>
    %add3A_14 = arith.addf %mul3A_13, %add3A : vector<10000x64xf32>
    %get3A_15 = arith.constant 0 : index
    %get3A_16 = arith.constant 0 : index
    %get3A_17 = vector.load %arg3[%get3A_15, %get3A_16] : memref<64x64xf32, #tpu.memory_space<vmem>>, vector<64x64xf32>
    %dot_general3A = arith.constant dense<0.000000e+00> : vector<10000x64xf32>
    %dot_general3A_18 = tpu.matmul %add3A_14, %get3A_17, %dot_general3A {dimension_numbers = #tpu.dot_dimension_numbers<[1], [0], [0], [1], [0, 0, 1, 1], [], []>, transpose_lhs_hint = false} : vector<10000x64xf32>, vector<64x64xf32>, vector<10000x64xf32> -> vector<10000x64xf32>
    %get3A_19 = arith.constant 0 : index
    %get3A_20 = arith.constant 0 : index
    %get3A_21 = vector.load %arg4[%get3A_19, %get3A_20] : memref<1x64xf32, #tpu.memory_space<vmem>>, vector<1x64xf32>
    %add3A_22 = vector.broadcast %get3A_21 : vector<1x64xf32> to vector<10000x64xf32>
    %add3A_23 = arith.addf %dot_general3A_18, %add3A_22 : vector<10000x64xf32>
    %max3A = arith.constant 0.000000e+00 : f32
    %max3A_24 = vector.broadcast %max3A : f32 to vector<10000x64xf32>
    %max3A_25 = arith.maximumf %add3A_23, %max3A_24 : vector<10000x64xf32>
    %get3A_26 = arith.constant 0 : index
    %get3A_27 = arith.constant 0 : index
    %get3A_28 = vector.load %arg5[%get3A_26, %get3A_27] : memref<64x64xf32, #tpu.memory_space<vmem>>, vector<64x64xf32>
    %dot_general3A_29 = arith.constant dense<0.000000e+00> : vector<10000x64xf32>
    %dot_general3A_30 = tpu.matmul %max3A_25, %get3A_28, %dot_general3A_29 {dimension_numbers = #tpu.dot_dimension_numbers<[1], [0], [0], [1], [0, 0, 1, 1], [], []>, transpose_lhs_hint = false} : vector<10000x64xf32>, vector<64x64xf32>, vector<10000x64xf32> -> vector<10000x64xf32>
    %get3A_31 = arith.constant 0 : index
    %get3A_32 = arith.constant 0 : index
    %get3A_33 = vector.load %arg6[%get3A_31, %get3A_32] : memref<1x64xf32, #tpu.memory_space<vmem>>, vector<1x64xf32>
    %add3A_34 = vector.broadcast %get3A_33 : vector<1x64xf32> to vector<10000x64xf32>
    %add3A_35 = arith.addf %dot_general3A_30, %add3A_34 : vector<10000x64xf32>
    %iota3A = tpu.iota {dimensions = array<i32: 0>} : vector<128x10000xi32>
    %get3A_36 = arith.constant 0 : index
    %get3A_37 = arith.constant 0 : index
    %get3A_38 = vector.load %arg7[%get3A_36, %get3A_37] : memref<1x10000xi32, #tpu.memory_space<vmem>>, vector<1x10000xi32>
    %eq3A = vector.broadcast %get3A_38 : vector<1x10000xi32> to vector<128x10000xi32>
    %eq3A_39 = arith.cmpi eq, %iota3A, %eq3A : vector<128x10000xi32>
    %convert_element_type3A = arith.extui %eq3A_39 : vector<128x10000xi1> to vector<128x10000xi32>
    %convert_element_type3A_40 = arith.sitofp %convert_element_type3A : vector<128x10000xi32> to vector<128x10000xf32>
    %dot_general3A_41 = arith.constant dense<0.000000e+00> : vector<128x64xf32>
    %dot_general3A_42 = tpu.matmul %convert_element_type3A_40, %add3A_35, %dot_general3A_41 {dimension_numbers = #tpu.dot_dimension_numbers<[1], [0], [0], [1], [0, 0, 1, 1], [], []>, precision = #tpu.contract_precision<fp32>, transpose_lhs_hint = false} : vector<128x10000xf32>, vector<10000x64xf32>, vector<128x64xf32> -> vector<128x64xf32>
    %reduce_sum3A = arith.constant dense<0.000000e+00> : vector<128xf32>
    %reduce_sum3A_43 = vector.multi_reduction <add>, %convert_element_type3A_40, %reduce_sum3A [1] : vector<128x10000xf32> to vector<128xf32>
    %broadcast_in_dim3A = vector.shape_cast %reduce_sum3A_43 : vector<128xf32> to vector<128x1xf32>
    %max3A_44 = arith.constant 1.000000e+00 : f32
    %max3A_45 = vector.broadcast %max3A_44 : f32 to vector<128x1xf32>
    %max3A_46 = arith.maximumf %broadcast_in_dim3A, %max3A_45 : vector<128x1xf32>
    %div3A = vector.broadcast %max3A_46 : vector<128x1xf32> to vector<128x64xf32>
    %div3A_47 = arith.divf %dot_general3A_42, %div3A : vector<128x64xf32>
    %swap3A = arith.constant 0 : index
    %swap3A_48 = arith.constant 0 : index
    %swap3A_49 = vector.load %arg10[%swap3A, %swap3A_48] : memref<128x64xf32, #tpu.memory_space<vmem>>, vector<128x64xf32>
    tpu.vector_store %arg10[%swap3A, %swap3A_48], %div3A_47 {strides = array<i32>} : memref<128x64xf32, #tpu.memory_space<vmem>>, vector<128x64xf32>,
    %get3A_50 = arith.constant 0 : index
    %get3A_51 = arith.constant 0 : index
    %get3A_52 = vector.load %arg8[%get3A_50, %get3A_51] : memref<64x1xf32, #tpu.memory_space<vmem>>, vector<64x1xf32>
    %dot_general3A_53 = arith.constant dense<0.000000e+00> : vector<128x1xf32>
    %dot_general3A_54 = tpu.matmul %div3A_47, %get3A_52, %dot_general3A_53 {dimension_numbers = #tpu.dot_dimension_numbers<[1], [0], [0], [1], [0, 0, 1, 1], [], []>, transpose_lhs_hint = false} : vector<128x64xf32>, vector<64x1xf32>, vector<128x1xf32> -> vector<128x1xf32>
    %get3A_55 = arith.constant 0 : index
    %get3A_56 = arith.constant 0 : index
    %get3A_57 = vector.load %arg9[%get3A_55, %get3A_56] : memref<1x1xf32, #tpu.memory_space<vmem>>, vector<1x1xf32>
    %add3A_58 = vector.broadcast %get3A_57 : vector<1x1xf32> to vector<128x1xf32>
    %add3A_59 = arith.addf %dot_general3A_54, %add3A_58 : vector<128x1xf32>
    %swap3A_60 = arith.constant 0 : index
    %swap3A_61 = arith.constant 0 : index
    %swap3A_62 = vector.load %arg11[%swap3A_60, %swap3A_61] : memref<128x1xf32, #tpu.memory_space<vmem>>, vector<128x1xf32>
    tpu.vector_store %arg11[%swap3A_60, %swap3A_61], %add3A_59 {strides = array<i32>} : memref<128x1xf32, #tpu.memory_space<vmem>>, vector<128x1xf32>,
    return
  }
}

</mosaic_0001>

<sc_bundles>
// kernel: kernel.6.cloned.1.call-start
scs
__scs_entry_jumppad:
0x0: {  	(pc) =	sbr.rel $0x88, $3  }
0x1: {  	(tag) =	ssettag $0x0;
	lr =	simm.s32 $0x1  }
0x2: {  	[smem:$0x3F92] =	sst lr;
	_ =	strace $0xD0000000  }
0x3: {  	_ = 	snop  }
0x4: {  	_ = 	snop  }
0x5: {  	_ = 	snop  }
0x6: {  	_ = 	snop  }
0x7: {  	_ = 	snop  }
__scs_overlays_trampoline_lowered:
0x8: {  	[smem:$0x3FA1] =	sst s0  }
0x9: {  	[smem:$0x3FA2] =	sst s1  }
0xa: {  	[smem:$0x3FA3] =	sst s2  }
0xb: {  	[smem:$0x3FA4] =	sst s3  }
0xc: {  	[smem:$0x3FA5] =	sst s4  }
0xd: {  	[smem:$0x3FA6] =	sst s5  }
0xe: {  	[smem:$0x3FA7] =	sst s6  }
0xf: {  	[smem:$0x3FA8] =	sst s7  }
0x10: {  	[smem:$0x3FA9] =	sst s8  }
0x11: {  	[smem:$0x3FAA] =	sst s9;
	s0 =	simm.s32 @!p0 $0x0  }
0x12: {  	s1 =	sld [smem:$0x3F90];
	s0 =	simm.s32 @p0 $0x1  }
0x13: {  	[smem:$0x3FAB] =	sst s0;
	s0 =	simm.s32 @!p1 $0x0  }
0x14: {  	s2 =	sld [smem:$0x3F8F];
	s0 =	simm.s32 @p1 $0x1  }
0x15: {  	[smem:$0x3FAC] =	sst s0;
	s0 =	simm.s32 @!p2 $0x0  }
0x16: {  	s3 =	sld [smem:$0x3FDB];
	s0 =	simm.s32 @p2 $0x1  }
0x17: {  	s4 =	simm.s32 $0x1BF5;
	[smem:$0x3FAE] =	sst s0  }
0x18: {  	s0 =	sld [smem:$0x3F91];
	_ =	swait.ge [sflag:s4], $0x0  }
0x19: {  	s7 =	sld [smem:$0x3F92]  }
0x1a: {  	s8 =	sadd.s32 $0xFFFFE003, lr  }
0x1b: {  	s9 =	sadd.s32 $0xFFFFFEF7, lr;
	s5 =	simm.s32 $0xFFFFFFFF;
	p2 =	slt.u32 s8, $0xFFFFF086  }
0x1c: {  	p1 =	slt.u32 s9, $0xF7A;
	s5 =	simm.s32 @!p2 $0x0  }
0x1d: {  	s5 =	simm.s32 @p1 $0x1;
	p0 =	seq.s32 s7, s2  }
0x1e: {  	s7 =	smul.u32 @!p0 $0xF7A, s2;
	p2 =	seq.s32 @!p0 s5, $0x0  }
0x1f: {  	s9 =	smul.u32 $0xF7A, s1;
	s8 =	simm.s32 @!p0 $0x1BF5;
	p2 =	por !p2, p0  }
0x20: {  	[sflag:s8] =	ssyncset.s32 @!p0 $0xFFFFF086;
	s6 =	sadd.s32 @!p0 s3, s7;
	s7 =	simm.s32 @!p0 $0x108  }
0x21: {  	s3 =	sadd.s32 s3, s9;
	s6 =	sadd.s32 @!p0 $0x88, s6;
	s7 =	simm.s32 @p2 $0x1082  }
0x22: {  	[simem:s7], [sflag:s8] =	dma.local @!p0 [hbm:s6], $0xF7A  }
0x23: {  	s9 =	sor.u32 $0xD0000000, s2;
	s6 =	simm.s32 $0x108;
	_ =	swait.ge @!p0 [sflag:s8], $0x0  }
0x24: {  	s3 =	sadd.s32 $0x88, s3;
	s6 =	simm.s32 @!p1 $0x1082;
	[sflag:s4] =	ssyncset.s32 $0xFFFFF086  }
0x25: {  	[simem:s6], [sflag:s4] =	dma.local [hbm:s3], $0xF7A  }
0x26: {  	[smem:$0x3F92] =	sst s1;
	(tag) =	ssettag s2;
	_ =	strace s9  }
0x27: {  	s1 =	sld [smem:$0x3FA2]  }
0x28: {  	s2 =	sld [smem:$0x3FA3]  }
0x29: {  	s4 =	sld [smem:$0x3FA5]  }
0x2a: {  	p0 =	seq.s32 s5, $0x0;
	s5 =	sld [smem:$0x3FA6]  }
0x2b: {  	s6 =	sld [smem:$0x3FA7]  }
0x2c: {  	s7 =	sld [smem:$0x3FA8]  }
0x2d: {  	s3 =	simm.s32 $0x108;
	s8 =	sld [smem:$0x3FA9]  }
0x2e: {  	s3 =	simm.s32 @!p0 $0x1082;
	s9 =	sld [smem:$0x3FAA]  }
0x2f: {  	lr =	sadd.s32 s0, s3;
	s0 =	sld [smem:$0x3FA1]  }
0x30: {  	s3 =	sld [smem:$0x3FA4]  }
0x31: {  	[smem:$0x3FAD] =	sst s10  }
0x32: {  	s10 =	sld [smem:$0x3FAB];
	_ =	sdelay $0x3  }
0x33: {  	p0 =	seq.s32 s10, $0x1;
	s10 =	sld [smem:$0x3FAD];
	_ =	sdelay $0x3  }
0x34: {  	[smem:$0x3FAD] =	sst s10  }
0x35: {  	s10 =	sld [smem:$0x3FAC];
	_ =	sdelay $0x3  }
0x36: {  	p1 =	seq.s32 s10, $0x1;
	s10 =	sld [smem:$0x3FAD];
	_ =	sdelay $0x3  }
0x37: {  	[smem:$0x3FAD] =	sst s10  }
0x38: {  	s10 =	sld [smem:$0x3FAE]  }
0x39: {  	_ = 	snop;
	(pc) =	sbr.ind lr, $3  }
0x3a: {  	_ = 	snop  }
0x3b: {  	_ = 	snop  }
0x3c: {  	p2 =	seq.s32 s10, $0x1;
	s10 =	sld [smem:$0x3FAD]  }
0x3d: {  	_ =	shalt  }
0x3e: {  	_ =	shalt  }
0x3f: {  	_ =	shalt  }
0x40: {  	_ =	shalt  }
0x41: {  	_ =	shalt  }
0x42: {  	_ =	shalt  }
0x43: {  	_ =	shalt  }
0x44: {  	_ =	shalt  }
0x45: {  	_ =	shalt  }
0x46: {  	_ =	shalt  }
0x47: {  	_ =	shalt  }
0x48: {  	_ =	shalt  }
0x49: {  	_ =	shalt  }
0x4a: {  	_ =	shalt  }
0x4b: {  	_ =	shalt  }
0x4c: {  	_ =	shalt  }
0x4d: {  	_ =	shalt  }
0x4e: {  	_ =	shalt  }
0x4f: {  	_ =	shalt  }
0x50: {  	_ =	shalt  }
0x51: {  	_ =	shalt  }
0x52: {  	_ =	shalt  }
0x53: {  	_ =	shalt  }
0x54: {  	_ =	shalt  }
0x55: {  	_ =	shalt  }
0x56: {  	_ =	shalt  }
0x57: {  	_ =	shalt  }
0x58: {  	_ =	shalt  }
0x59: {  	_ =	shalt  }
0x5a: {  	_ =	shalt  }
0x5b: {  	_ =	shalt  }
0x5c: {  	_ =	shalt  }
0x5d: {  	_ =	shalt  }
0x5e: {  	_ =	shalt  }
0x5f: {  	_ =	shalt  }
0x60: {  	_ =	shalt  }
0x61: {  	_ =	shalt  }
0x62: {  	_ =	shalt  }
0x63: {  	_ =	shalt  }
0x64: {  	_ =	shalt  }
0x65: {  	_ =	shalt  }
0x66: {  	_ =	shalt  }
0x67: {  	_ =	shalt  }
0x68: {  	_ =	shalt  }
0x69: {  	_ =	shalt  }
0x6a: {  	_ =	shalt  }
0x6b: {  	_ =	shalt  }
0x6c: {  	_ =	shalt  }
0x6d: {  	_ =	shalt  }
0x6e: {  	_ =	shalt  }
0x6f: {  	_ =	shalt  }
0x70: {  	_ =	shalt  }
0x71: {  	_ =	shalt  }
0x72: {  	_ =	shalt  }
0x73: {  	_ =	shalt  }
0x74: {  	_ =	shalt  }
0x75: {  	_ =	shalt  }
0x76: {  	_ =	shalt  }
0x77: {  	_ =	shalt  }
0x78: {  	_ =	shalt  }
0x79: {  	_ =	shalt  }
0x7a: {  	_ =	shalt  }
0x7b: {  	_ =	shalt  }
0x7c: {  	_ =	shalt  }
0x7d: {  	_ =	shalt  }
0x7e: {  	_ =	shalt  }
0x7f: {  	_ =	shalt  }
0x80: {  	_ =	shalt  }
0x81: {  	_ =	shalt  }
0x82: {  	_ =	shalt  }
0x83: {  	_ =	shalt  }
0x84: {  	_ =	shalt  }
0x85: {  	_ =	shalt  }
0x86: {  	_ =	shalt  }
0x87: {  	_ =	shalt  }
.Lfunc_end0:
.L_simem_size_0:
called_computation_lowered:
.L_overlay_start_0:
0x88: {  	s2 =	sld [smem:$0x3FD9]  }
0x89: {  	s3 =	sld [smem:$0x3FFE];
	_ =	sdelay $0x1  }
0x8a: {  	s1 =	srdreg.scid  }
0x8b: {  	s0 =	sand.u32 $0x1, s1  }
0x8c: {  	s17 =	sshll.u32 s0, $0xA;
	s2 =	sadd.s32 s3, s2  }
0x8d: {  	s2 =	sadd.s32 s2, s17  }
0x8e: {  	[smem:$0x3FB9] =	sst s2  }
0x8f: {  	_ = 	snop  }
0x90: {  	s2 =	sld [smem:$0x3FC9];
	(tm) =	ssettm $0x1  }
0x91: {  	s18 =	sld [smem:$0x3FFB];
	_ =	sdelay $0x3  }
0x92: {  	_ =	strace s18  }
0x93: {  	s3 =	sld [smem:$0x3FFC];
	_ =	sdelay $0x3  }
0x94: {  	_ =	strace s3  }
0x95: {  	s3 =	sld [smem:$0x3FFD];
	_ =	sdelay $0x3  }
0x96: {  	_ =	strace s3  }
0x97: {  	_ =	strace $0x8FFFFFFF  }
0x98: {  	s19 =	sld [smem:$0x3FDB];
	_ =	sdelay $0x1  }
0x99: {  	s4 =	simm.s32 $_scs_section_size  }
0x9a: {  	s5 =	simm.s32 $_size__tile_overlayer_lowered;
	s6 =	simm.s32 $_tile_overlayer_lowered  }
0x9b: {  	s22 =	simm.s32 $0x1BFF;
	s21 =	sshll.u32 s6, $0x1;
	s3 =	sadd.s32 s4, s19  }
0x9c: {  	s7 =	simm.s32 $0x0;
	s20 =	sshll.u32 s5, $0x1;
	s5 =	sadd.s32 s21, s3  }
0x9d: {  	[timem:s7], [sflag:s22] =	dma.local [hbm:s5], s20  }
0x9e: {  	_ =	swait.ge [sflag:s22], s20  }
0x9f: {  	s4 =	ssub.s32 $0x0, s20;
	[sflag:s22] =	ssyncset.done $0x0  }
0xa0: {  	[sflag:s22] =	ssyncadd.s32 s4;
	_ =	sdelay $0x1  }
0xa1: {  	s23 =	simm.s32 $0x1B8B  }
0xa2: {  	_ =	swait.ge [sflag:s23], $0x1  }
0xa3: {  	[sflag:s23] =	ssyncset.done $0x0  }
0xa4: {  	s25 =	simm.s32 $0x1B8E;
	s24 =	sld [smem:$0x3FFE];
	[sflag:s23] =	ssyncadd.s32 $0xFFFFFFFF  }
0xa5: {  	s26 =	simm.s32 $execute0_lowered;
	[smem:$0x3FD2] =	sst s25  }
0xa6: {  	s5 =	sshll.u32 s26, $0x1;
	_ =	strace $0x80000046;
	[dreg:$0x1] =	wrdreg $0xFFFFFFFF  }
0xa7: {  	s28 =	simm.s32 $_size_execute0_lowered;
	s3 =	sadd.s32 s3, s5;
	[dreg:$0x0] =	wrdreg $0x0  }
0xa8: {  	s5 =	sshll.u32 s28, $0x1;
	[dreg:$0x2] =	wrdreg s3  }
0xa9: {  	[dreg:$0x3] =	wrdreg s5  }
0xaa: {  	[dreg:$0x4] =	wrdreg $0xC0  }
0xab: {  	_ =	task [dreg:s7], $0x5FFFF  }
0xac: {  	[dreg:$0x1] =	wrdreg $0xFFFFFFFF  }
0xad: {  	[dreg:$0x0] =	wrdreg $0x60  }
0xae: {  	[dreg:$0x2] =	wrdreg s2  }
0xaf: {  	[dreg:$0x3] =	wrdreg s24  }
0xb0: {  	[dreg:$0x4] =	wrdreg $0xC6200  }
0xb1: {  	[dreg:$0x5] =	wrdreg $0x9  }
0xb2: {  	_ =	task.clear_ibuf [dreg:s7], $0x6FFFF;
	_ =	strace $0x90000046  }
0xb3: {  	s29 =	simm.s32 $0x9;
	_ =	strace $0x80000048  }
0xb4: {  	_ =	swait.ge [sflag:s29], $0x1  }
0xb5: {  	[sflag:s29] =	ssyncadd.s32 $0xFFFFFFFF  }
0xb6: {  	_ =	strace $0x90000048  }
0xb7: {  	_ =	sfence  }
0xb8: {  	s30 =	sld [smem:$0x0];
	_ =	sdelay $0x2  }
0xb9: {  	s31 =	sshll.u32 s1, $0xD;
	s1 =	sshrl.u32 s1, $0x2  }
0xba: {  	s3 =	sand.u32 $0x4000, s31;
	s1 =	sadd.s32 s1, s30  }
0xbb: {  	s0 =	sor.u32 s3, s0;
	s1 =	sshll.u32 s1, $0x11  }
0xbc: {  	s0 =	sor.u32 s1, s0  }
0xbd: {  	s0 =	sadd.s32 $0x8F2B, s0  }
0xbe: {  	[sflag:s0] =	ssyncadd.remote.s32 $0x1  }
0xbf: {  	_ =	sfence.sel $0xFFFF  }
0xc0: {  	[dreg:$0x0] =	wrdreg $0xFFFFFFFF;
	(pc) =	sbr.abs _section_cstart, $3  }
0xc1: {  	[dreg:$0x1] =	wrdreg $0xFFFFFFFF  }
0xc2: {  	_ =	task.clear_ibuf [dreg:s7], $0x2FFFF;
	_ =	strace $0x9FFFFFFF  }
0xc3: {  	(tm) =	ssettm $0x7FFFFFFF  }
tec
execute0_lowered:
.L_overlay_start_1:
0x0: {  	(tag) =	ssettag $0x1  }
0x1: {  	s2 =	rddreg [dreg:$0x0]  }
0x2: {  	s5 =	rddreg [dreg:$0x1]  }
0x3: {  	s3 =	rddreg [dreg:$0x2]  }
0x4: {  	s4 =	srdreg.scid;
	s0 =	stileid.u32  }
0x5: {  	s18 =	simm.s32 $0x4E20;
	s19 =	simm.s32 $0x1;
	s20 =	simm.s32 $0x50  }
0x6: {  	s21 =	simm.s32 $0x7620;
	s22 =	simm.s32 $0x2;
	s7 =	smul.u32 $0x270, s0  }
0x7: {  	s23 =	simm.s32 $0x0;
	s6 =	sand.u32 $0x1, s4;
	s30 =	smul.u32 $0x4E000, s0  }
0x8: {  	s4 =	simm.s32 $0x0;
	s8 =	sshll.u32 s6, $0x4;
	s9 =	smul.u32 $0x2710, s6  }
0x9: {  	[smem:$0x7FF] =	sst s4;
	s6 =	ssub.s32 $0x2, s6;
	s8 =	sor.u32 s0, s8  }
0xa: {  	s31 =	sshrl.u32 s6, $0x1;
	s8 =	smul.u32 $0x4E2, s8;
	s7 =	sadd.s32 s7, s9  }
0xb: {  	_ =	strace $0x80000047;
	s10 =	ssub.s32 s6, s31;
	s7 =	sshll.u32 s7, $0x4  }
0xc: {  	s9 =	sshrl.u32 s30, $0x2;
	s8 =	sadd.s32 s8, s5;
	s7 =	sadd.s32 s7, s5  }
0xd: {  	s5 =	sadd.s32 $0xBE00, s8;
	s6 =	sadd.s32 $0x2000, s8;
	s8 =	sadd.s32 s9, s3  }
0xe: {  	s7 =	sadd.s32 $0x15C00, s7;
	s9 =	smax.u32 s10, $0x1;
	s10 =	sadd.s32 $0x2800, s8  }
0xf: {  	s11 =	sadd.s32 $0x5000, s8;
	s12 =	sadd.s32 $0x7800, s8;
	s13 =	sadd.s32 $0xA000, s8  }
0x10: {  	v0 =	vimm.f32 $0.0e+00;
	s14 =	sadd.s32 $0xC800, s8;
	s15 =	sadd.s32 $0xF000, s8;
	s16 =	sadd.s32 $0x11800, s8  }
.LBB2_1:
0x11: {  	[tilespmem:s4], [sflag:$0x1] =	stream.linear.gather [hbm4b:s5+s4], $0x2710, $0x38;
	[tilespmem:$0x1FEA0] =	vst v63  }
0x12: {  	s24 =	sand.u32 $0xFE00, s4  }
0x13: {  	s0 =	simm.s32 $0x2710;
	s25 =	sand.u32 $0x70, s4;
	s26 =	sshrl.u32 s24, $0x2  }
0x14: {  	[tilespmem:s0], [sflag:$0x1] =	stream.linear.gather [hbm4b:s6+s4], $0x2710, $0x38;
	[tilespmem:$0x1FEA0] =	vst v63  }
0x15: {  	s24 =	simm.s32 $0x40;
	s26 =	sor.u32 s25, s26;
	s25 =	simm.s32 $0x0  }
.LBB2_2:
0x16: {  	p0 =	sne.s32 s24, $0x9FC0  }
0x17: {  	[tilespmem:s26+$0x4E20] =	vst v0;
	s25 =	sadd.s32 $0x10, s25;
	s26 =	smov.u32 s24;
	s24 =	sadd.s32 $0x40, s24  }
.Ltmp0:
0x18: {  	(pc) =	sbr.rel @p0 .LBB2_2-.Ltmp0, $4  }
0x19: {  	_ = 	snop  }
0x1a: {  	s26 =	sand.u32 $0xFE00, s26  }
0x1b: {  	s28 =	sand.u32 $0x70, s25;
	s26 =	sshrl.u32 s26, $0x2  }
0x1c: {  	s26 =	sor.u32 s28, s26  }
0x1d: {  	[tilespmem:s26+$0x4E20] =	vst v0;
	s24 =	simm.s32 $0x2  }
0x1e: {  	[spmem:s8] =	stream.linear.scatter [tilespmem:s18], [sflag:$0x2], $0x2800, $0x38;
	[tilespmem:$0x1FEA0] =	vst v63  }
0x1f: {  	_ =	swait.ge [sflag:s24], $0x2800  }
0x20: {  	[sflag:s24] =	ssyncset.done $0x0  }
0x21: {  	[sflag:s24] =	ssyncadd.s32 $0xFFFFD800  }
0x22: {  	[spmem:s10] =	stream.linear.scatter [tilespmem:s18], [sflag:$0x2], $0x2800, $0x38;
	[tilespmem:$0x1FEA0] =	vst v63  }
0x23: {  	_ =	swait.ge [sflag:s24], $0x2800  }
0x24: {  	[sflag:s24] =	ssyncset.done $0x0  }
0x25: {  	[sflag:s24] =	ssyncadd.s32 $0xFFFFD800  }
0x26: {  	[spmem:s11] =	stream.linear.scatter [tilespmem:s18], [sflag:$0x2], $0x2800, $0x38;
	[tilespmem:$0x1FEA0] =	vst v63  }
0x27: {  	_ =	swait.ge [sflag:s24], $0x2800  }
0x28: {  	[sflag:s24] =	ssyncset.done $0x0  }
0x29: {  	[sflag:s24] =	ssyncadd.s32 $0xFFFFD800  }
0x2a: {  	[spmem:s12] =	stream.linear.scatter [tilespmem:s18], [sflag:$0x2], $0x2800, $0x38;
	[tilespmem:$0x1FEA0] =	vst v63  }
0x2b: {  	_ =	swait.ge [sflag:s24], $0x2800  }
0x2c: {  	[sflag:s24] =	ssyncset.done $0x0  }
0x2d: {  	[sflag:s24] =	ssyncadd.s32 $0xFFFFD800  }
0x2e: {  	[spmem:s13] =	stream.linear.scatter [tilespmem:s18], [sflag:$0x2], $0x2800, $0x38;
	[tilespmem:$0x1FEA0] =	vst v63  }
0x2f: {  	_ =	swait.ge [sflag:s24], $0x2800  }
0x30: {  	[sflag:s24] =	ssyncset.done $0x0  }
0x31: {  	[sflag:s24] =	ssyncadd.s32 $0xFFFFD800  }
0x32: {  	[spmem:s14] =	stream.linear.scatter [tilespmem:s18], [sflag:$0x2], $0x2800, $0x38;
	[tilespmem:$0x1FEA0] =	vst v63  }
0x33: {  	_ =	swait.ge [sflag:s24], $0x2800  }
0x34: {  	[sflag:s24] =	ssyncset.done $0x0  }
0x35: {  	s25 =	simm.s32 $0x0;
	[sflag:s24] =	ssyncadd.s32 $0xFFFFD800  }
0x36: {  	[spmem:s15] =	stream.linear.scatter [tilespmem:s18], [sflag:$0x2], $0x2800, $0x38;
	[tilespmem:$0x1FEA0] =	vst v63  }
0x37: {  	s25 =	smul.u32 $0xAB, s25;
	_ =	swait.ge [sflag:s24], $0x2800  }
0x38: {  	[sflag:s24] =	ssyncset.done $0x0  }
0x39: {  	s25 =	sshrl.u32 s25, $0x9;
	[sflag:s24] =	ssyncadd.s32 $0xFFFFD800  }
0x3a: {  	[spmem:s16] =	stream.linear.scatter [tilespmem:s18], [sflag:$0x2], $0x2800, $0x38;
	[tilespmem:$0x1FEA0] =	vst v63  }
0x3b: {  	s25 =	sand.u32 $0x7F, s25;
	_ =	swait.ge [sflag:s24], $0x2800  }
0x3c: {  	p0 =	por $0x0, $0x0;
	s25 =	smul.u32 $0x3, s25;
	[sflag:s24] =	ssyncset.done $0x0  }
0x3d: {  	[sflag:s24] =	ssyncadd.s32 $0xFFFFD800;
	s24 =	smul.u32 @!p0 $0xAB, s24  }
0x3e: {  	s26 =	simm.s32 $0xA0;
	_ =	swait.ge [sflag:s19], $0x2710  }
0x3f: {  	s25 =	ssub.s32 $0x0, s25;
	[sflag:s19] =	ssyncset.done $0x0;
	s24 =	sshrl.u32 @!p0 s24, $0x9  }
0x40: {  	[sflag:s19] =	ssyncadd.s32 $0xFFFFD8F0;
	s24 =	sand.u32 @!p0 $0x7F, s24;
	p0 =	por p0, p0  }
0x41: {  	s25 =	sand.u32 $0xFF, s25;
	_ =	swait.ge [sflag:s19], $0x2710;
	s24 =	smul.u32 @!p0 $0x3, s24  }
0x42: {  	p1 =	por $0x0, $0x0;
	s25 =	smul.u32 $0xA000, s25;
	[sflag:s19] =	ssyncset.done $0x0  }
0x43: {  	s17 =	simm.s32 $0x2710;
	[sflag:s19] =	ssyncadd.s32 $0xFFFFD8F0;
	s24 =	ssub.s32 @!p0 $0x2, s24  }
0x44: {  	s25 =	sshrl.u32 s25, $0x2;
	[bflag:$0x0] =	sbarrier.arrive $0xFFFF;
	s28 =	sand.u32 @!p0 $0xFF, s24  }
0x45: {  	[tilespmem:s18], [sflag:$0x1] =	stream.indirect.gather [hbm4b:s2+s20], $0x80, s4, s20, $0xb8;
	[tilespmem:$0x1FEA0] =	vst v63  }
0x46: {  	s25 =	sadd.s32 $0x4E20, s25;
	s24 =	simm.s32 $0x3;
	s28 =	smul.u32 @!p0 $0xA000, s28  }
0x47: {  	[tilespmem:s21], [sflag:$0x1] =	stream.indirect.gather [hbm4b:s2+s20], $0x80, s20, s20, $0xb8;
	[tilespmem:$0x1FEA0] =	vst v63  }
0x48: {  	s29 =	simm.s32 @!p0 $0x50;
	s0 =	smul.u32 @!p1 $0xAB, s24;
	_ =	swait.ge [sflag:s19], $0x2800  }
0x49: {  	s30 =	sshrl.u32 @!p0 s28, $0x2;
	s28 =	simm.s32 $0x1;
	[sflag:s19] =	ssyncset.done $0x0  }
0x4a: {  	s30 =	sadd.s32 @!p0 $0x4E20, s30;
	s31 =	smul.u32 $0xAB, s28;
	[sflag:s19] =	ssyncadd.s32 $0xFFFFD800  }
0x4b: {  	[tilespmem:s30], [sflag:$0x1] =	stream.indirect.gather @!p0 [hbm4b:s2+s29], $0x80, s26, s29, $0xb8;
	[tilespmem:$0x1FEA0] =	vst v63  }
0x4c: {  	s29 =	simm.s32 $0x4;
	s26 =	simm.s32 $0xF0;
	s30 =	sshrl.u32 s31, $0x9  }
0x4d: {  	[spmem:s3] =	stream.indirect.scatter.add.f32 [tilespmem:s25], [sflag:$0x2], $0x80, s17, s20, $0xb8;
	[tilespmem:$0x1FEA0] =	vst v63  }
0x4e: {  	s31 =	sshrl.u32 @!p1 s0, $0x9;
	s25 =	simm.s32 $0x2760;
	_ =	swait.ge [sflag:s22], $0x2800  }
.LBB2_4:
0x4f: {  	s0 =	sand.u32 @!p1 $0x7F, s31  }
0x50: {  	[sflag:s22] =	ssyncset.done $0x0;
	s31 =	smov.u32 s29;
	s29 =	sadd.s32 $0x1, s29  }
0x51: {  	s1 =	smov.u32 s25;
	p2 =	por p1, p1;
	s30 =	sand.u32 $0x7F, s30  }
0x52: {  	p0 =	sne.s32 s29, $0x7F;
	s0 =	smul.u32 @!p2 $0x3, s0;
	[sflag:s22] =	ssyncadd.s32 $0xFFFFD800  }
0x53: {  	s30 =	smul.u32 $0x3, s30  }
0x54: {  	s0 =	ssub.s32 @!p2 s24, s0;
	s24 =	smov.u32 s31  }
0x55: {  	s28 =	ssub.s32 s28, s30;
	s0 =	sand.u32 @!p2 $0xFF, s0  }
0x56: {  	s25 =	sadd.s32 $0x50, s25;
	s28 =	sand.u32 $0xFF, s28;
	s0 =	smul.u32 @!p2 $0xA000, s0  }
0x57: {  	s30 =	simm.s32 @!p2 $0x50;
	s31 =	smul.u32 $0xA000, s28;
	_ =	swait.ge [sflag:s19], $0x2800  }
0x58: {  	s28 =	sadd.s32 $0xFFFFFFFE, s24;
	[sflag:s19] =	ssyncset.done $0x0;
	s0 =	sshrl.u32 @!p2 s0, $0x2  }
0x59: {  	s17 =	smul.u32 $0xAB, s28;
	[sflag:s19] =	ssyncadd.s32 $0xFFFFD800;
	s0 =	sadd.s32 @!p2 $0x4E20, s0  }
.Ltmp1:
0x5a: {  	p1 =	sgt.u32 s28, $0x7A;
	s31 =	sshrl.u32 s31, $0x2;
	(pc) =	sbr.rel @p0 .LBB2_4-.Ltmp1, $4  }
0x5b: {  	[tilespmem:s0], [sflag:$0x1] =	stream.indirect.gather @!p2 [hbm4b:s2+s30], $0x80, s26, s30, $0xb8;
	[tilespmem:$0x1FEA0] =	vst v63  }
0x5c: {  	s0 =	smul.u32 @!p1 $0xAB, s24;
	s30 =	sadd.s32 $0x4E20, s31;
	s26 =	sadd.s32 $0x50, s26  }
0x5d: {  	[spmem:s3] =	stream.indirect.scatter.add.f32 [tilespmem:s30], [sflag:$0x2], $0x80, s1, s20, $0xb8;
	[tilespmem:$0x1FEA0] =	vst v63  }
0x5e: {  	s30 =	sshrl.u32 s17, $0x9;
	s31 =	sshrl.u32 @!p1 s0, $0x9;
	_ =	swait.ge [sflag:s22], $0x2800  }
0x5f: {  	s0 =	sand.u32 @!p1 $0x7F, s31;
	p0 =	por p1, p1  }
0x60: {  	s1 =	sand.u32 $0x7F, s30;
	s0 =	smul.u32 @!p0 $0x3, s0  }
0x61: {  	s1 =	smul.u32 $0x3, s1  }
0x62: {  	s0 =	ssub.s32 @!p0 s24, s0  }
0x63: {  	[sflag:s22] =	ssyncset.done $0x0;
	s1 =	ssub.s32 s28, s1;
	s0 =	sand.u32 @!p0 $0xFF, s0  }
0x64: {  	[sflag:s22] =	ssyncadd.s32 $0xFFFFD800;
	s1 =	sand.u32 $0xFF, s1;
	s0 =	smul.u32 @!p0 $0xA000, s0  }
0x65: {  	_ =	swait.ge [sflag:s19], $0x2800;
	s1 =	smul.u32 $0xA000, s1  }
0x66: {  	s17 =	simm.s32 @!p0 $0x50;
	[sflag:s19] =	ssyncset.done $0x0;
	s0 =	sshrl.u32 @!p0 s0, $0x2  }
0x67: {  	[sflag:s19] =	ssyncadd.s32 $0xFFFFD800;
	s1 =	sshrl.u32 s1, $0x2;
	s0 =	sadd.s32 @!p0 $0x4E20, s0  }
0x68: {  	[tilespmem:s0], [sflag:$0x1] =	stream.indirect.gather @!p0 [hbm4b:s2+s17], $0x80, s26, s17, $0xb8;
	[tilespmem:$0x1FEA0] =	vst v63  }
0x69: {  	s29 =	sadd.s32 $0x4E20, s1  }
0x6a: {  	[spmem:s3] =	stream.indirect.scatter.add.f32 [tilespmem:s29], [sflag:$0x2], $0x80, s25, s20, $0xb8;
	[tilespmem:$0x1FEA0] =	vst v63  }
0x6b: {  	s30 =	stileid.u32;
	_ =	swait.ge [sflag:s22], $0x2800  }
0x6c: {  	s31 =	sshrl.u32 s8, $0x3;
	s23 =	sadd.s32 $0x1, s23;
	[sflag:s22] =	ssyncset.done $0x0  }
0x6d: {  	s0 =	sshll.u32 s30, $0x6;
	p0 =	sne.s32 s23, s9;
	[sflag:s22] =	ssyncadd.s32 $0xFFFFD800  }
.Ltmp2:
0x6e: {  	s0 =	sor.u32 $0x1C02, s0;
	[bflag:$0x0] =	sbarrier.arrive $0xFFFF;
	(pc) =	sbr.rel @p0 .LBB2_1-.Ltmp2, $4  }
0x6f: {  	[hbm:s7], [sflag:s0] =	dma.local [spmem:s31], $0x2800  }
0x70: {  	_ =	swait.ge [sflag:s22], $0x2800  }
0x71: {  	[sflag:s22] =	ssyncset.done $0x0  }
0x72: {  	[sflag:s22] =	ssyncadd.s32 $0xFFFFD800  }
0x73: {  	_ =	sfence.sel $0x180000  }
0x74: {  	[bflag:$0x0] =	sbarrier.arrive $0xFFFF  }
0x75: {  	_ =	strace $0x90000047  }
0x76: {  	s0 =	stileid.u32;
	[bflag:$0x2] =	sbarrier.arrive $0xFFFF  }
0x77: {  	p0 =	sne.s32 s0, $0x0;
	s0 =	rddreg [dreg:$0x3]  }
0x78: {  	s0 =	sadd.s32 @!p0 $0x100000, s0  }
0x79: {  	[sflag:s0] =	ssyncadd.tile.s32 @!p0 $0x1;
	_ =	shalt  }
.Lfunc_end2:
_tile_overlayer_lowered:
.L_overlay_start_2:
0x7a: {  	(tag) =	ssettag $0x2  }
0x7b: {  	s0 =	rddreg [dreg:$0x0];
	s2 =	stileid.u32  }
0x7c: {  	s1 =	rddreg [dreg:$0x1];
	p0 =	sne.s32 s2, $0x0  }
0x7d: {  	s3 =	rddreg [dreg:$0x2];
	[bflag:$0x3] =	sbarrier.arrive $0xFFFF;
	s2 =	simm.s32 @!p0 $0x1C02  }
0x7e: {  	[timem:s3], [sflag:s2] =	dma.local @!p0 [hbm:s0], s1  }
0x7f: {  	s0 =	simm.s32 @!p0 $0x2  }
0x80: {  	_ =	swait.ge @!p0 [sflag:s0], s1  }
0x81: {  	s1 =	ssub.s32 @!p0 $0x0, s1;
	[sflag:s0] =	ssyncset.done @!p0 $0x0  }
0x82: {  	[sflag:s0] =	ssyncadd.s32 @!p0 s1  }
0x83: {  	[bflag:$0x3] =	sbarrier.arrive $0xFFFF  }
0x84: {  	_ =	shalt  }

// kernel: kernel.9.cloned.1.call-start
scs
__scs_entry_jumppad:
0x0: {  	(pc) =	sbr.rel $0x88, $3  }
0x1: {  	(tag) =	ssettag $0x0;
	lr =	simm.s32 $0x1  }
0x2: {  	[smem:$0x3F92] =	sst lr;
	_ =	strace $0xD0000000  }
0x3: {  	_ = 	snop  }
0x4: {  	_ = 	snop  }
0x5: {  	_ = 	snop  }
0x6: {  	_ = 	snop  }
0x7: {  	_ = 	snop  }
__scs_overlays_trampoline_lowered:
0x8: {  	[smem:$0x3FA1] =	sst s0  }
0x9: {  	[smem:$0x3FA2] =	sst s1  }
0xa: {  	[smem:$0x3FA3] =	sst s2  }
0xb: {  	[smem:$0x3FA4] =	sst s3  }
0xc: {  	[smem:$0x3FA5] =	sst s4  }
0xd: {  	[smem:$0x3FA6] =	sst s5  }
0xe: {  	[smem:$0x3FA7] =	sst s6  }
0xf: {  	[smem:$0x3FA8] =	sst s7  }
0x10: {  	[smem:$0x3FA9] =	sst s8  }
0x11: {  	[smem:$0x3FAA] =	sst s9;
	s0 =	simm.s32 @!p0 $0x0  }
0x12: {  	s1 =	sld [smem:$0x3F90];
	s0 =	simm.s32 @p0 $0x1  }
0x13: {  	[smem:$0x3FAB] =	sst s0;
	s0 =	simm.s32 @!p1 $0x0  }
0x14: {  	s2 =	sld [smem:$0x3F8F];
	s0 =	simm.s32 @p1 $0x1  }
0x15: {  	[smem:$0x3FAC] =	sst s0;
	s0 =	simm.s32 @!p2 $0x0  }
0x16: {  	s3 =	sld [smem:$0x3FDB];
	s0 =	simm.s32 @p2 $0x1  }
0x17: {  	s4 =	simm.s32 $0x1BF5;
	[smem:$0x3FAE] =	sst s0  }
0x18: {  	s0 =	sld [smem:$0x3F91];
	_ =	swait.ge [sflag:s4], $0x0  }
0x19: {  	s7 =	sld [smem:$0x3F92]  }
0x1a: {  	s8 =	sadd.s32 $0xFFFFE003, lr  }
0x1b: {  	s9 =	sadd.s32 $0xFFFFFEF7, lr;
	s5 =	simm.s32 $0xFFFFFFFF;
	p2 =	slt.u32 s8, $0xFFFFF086  }
0x1c: {  	p1 =	slt.u32 s9, $0xF7A;
	s5 =	simm.s32 @!p2 $0x0  }
0x1d: {  	s5 =	simm.s32 @p1 $0x1;
	p0 =	seq.s32 s7, s2  }
0x1e: {  	s7 =	smul.u32 @!p0 $0xF7A, s2;
	p2 =	seq.s32 @!p0 s5, $0x0  }
0x1f: {  	s9 =	smul.u32 $0xF7A, s1;
	s8 =	simm.s32 @!p0 $0x1BF5;
	p2 =	por !p2, p0  }
0x20: {  	[sflag:s8] =	ssyncset.s32 @!p0 $0xFFFFF086;
	s6 =	sadd.s32 @!p0 s3, s7;
	s7 =	simm.s32 @!p0 $0x108  }
0x21: {  	s3 =	sadd.s32 s3, s9;
	s6 =	sadd.s32 @!p0 $0x88, s6;
	s7 =	simm.s32 @p2 $0x1082  }
0x22: {  	[simem:s7], [sflag:s8] =	dma.local @!p0 [hbm:s6], $0xF7A  }
0x23: {  	s9 =	sor.u32 $0xD0000000, s2;
	s6 =	simm.s32 $0x108;
	_ =	swait.ge @!p0 [sflag:s8], $0x0  }
0x24: {  	s3 =	sadd.s32 $0x88, s3;
	s6 =	simm.s32 @!p1 $0x1082;
	[sflag:s4] =	ssyncset.s32 $0xFFFFF086  }
0x25: {  	[simem:s6], [sflag:s4] =	dma.local [hbm:s3], $0xF7A  }
0x26: {  	[smem:$0x3F92] =	sst s1;
	(tag) =	ssettag s2;
	_ =	strace s9  }
0x27: {  	s1 =	sld [smem:$0x3FA2]  }
0x28: {  	s2 =	sld [smem:$0x3FA3]  }
0x29: {  	s4 =	sld [smem:$0x3FA5]  }
0x2a: {  	p0 =	seq.s32 s5, $0x0;
	s5 =	sld [smem:$0x3FA6]  }
0x2b: {  	s6 =	sld [smem:$0x3FA7]  }
0x2c: {  	s7 =	sld [smem:$0x3FA8]  }
0x2d: {  	s3 =	simm.s32 $0x108;
	s8 =	sld [smem:$0x3FA9]  }
0x2e: {  	s3 =	simm.s32 @!p0 $0x1082;
	s9 =	sld [smem:$0x3FAA]  }
0x2f: {  	lr =	sadd.s32 s0, s3;
	s0 =	sld [smem:$0x3FA1]  }
0x30: {  	s3 =	sld [smem:$0x3FA4]  }
0x31: {  	[smem:$0x3FAD] =	sst s10  }
0x32: {  	s10 =	sld [smem:$0x3FAB];
	_ =	sdelay $0x3  }
0x33: {  	p0 =	seq.s32 s10, $0x1;
	s10 =	sld [smem:$0x3FAD];
	_ =	sdelay $0x3  }
0x34: {  	[smem:$0x3FAD] =	sst s10  }
0x35: {  	s10 =	sld [smem:$0x3FAC];
	_ =	sdelay $0x3  }
0x36: {  	p1 =	seq.s32 s10, $0x1;
	s10 =	sld [smem:$0x3FAD];
	_ =	sdelay $0x3  }
0x37: {  	[smem:$0x3FAD] =	sst s10  }
0x38: {  	s10 =	sld [smem:$0x3FAE]  }
0x39: {  	_ = 	snop;
	(pc) =	sbr.ind lr, $3  }
0x3a: {  	_ = 	snop  }
0x3b: {  	_ = 	snop  }
0x3c: {  	p2 =	seq.s32 s10, $0x1;
	s10 =	sld [smem:$0x3FAD]  }
0x3d: {  	_ =	shalt  }
0x3e: {  	_ =	shalt  }
0x3f: {  	_ =	shalt  }
0x40: {  	_ =	shalt  }
0x41: {  	_ =	shalt  }
0x42: {  	_ =	shalt  }
0x43: {  	_ =	shalt  }
0x44: {  	_ =	shalt  }
0x45: {  	_ =	shalt  }
0x46: {  	_ =	shalt  }
0x47: {  	_ =	shalt  }
0x48: {  	_ =	shalt  }
0x49: {  	_ =	shalt  }
0x4a: {  	_ =	shalt  }
0x4b: {  	_ =	shalt  }
0x4c: {  	_ =	shalt  }
0x4d: {  	_ =	shalt  }
0x4e: {  	_ =	shalt  }
0x4f: {  	_ =	shalt  }
0x50: {  	_ =	shalt  }
0x51: {  	_ =	shalt  }
0x52: {  	_ =	shalt  }
0x53: {  	_ =	shalt  }
0x54: {  	_ =	shalt  }
0x55: {  	_ =	shalt  }
0x56: {  	_ =	shalt  }
0x57: {  	_ =	shalt  }
0x58: {  	_ =	shalt  }
0x59: {  	_ =	shalt  }
0x5a: {  	_ =	shalt  }
0x5b: {  	_ =	shalt  }
0x5c: {  	_ =	shalt  }
0x5d: {  	_ =	shalt  }
0x5e: {  	_ =	shalt  }
0x5f: {  	_ =	shalt  }
0x60: {  	_ =	shalt  }
0x61: {  	_ =	shalt  }
0x62: {  	_ =	shalt  }
0x63: {  	_ =	shalt  }
0x64: {  	_ =	shalt  }
0x65: {  	_ =	shalt  }
0x66: {  	_ =	shalt  }
0x67: {  	_ =	shalt  }
0x68: {  	_ =	shalt  }
0x69: {  	_ =	shalt  }
0x6a: {  	_ =	shalt  }
0x6b: {  	_ =	shalt  }
0x6c: {  	_ =	shalt  }
0x6d: {  	_ =	shalt  }
0x6e: {  	_ =	shalt  }
0x6f: {  	_ =	shalt  }
0x70: {  	_ =	shalt  }
0x71: {  	_ =	shalt  }
0x72: {  	_ =	shalt  }
0x73: {  	_ =	shalt  }
0x74: {  	_ =	shalt  }
0x75: {  	_ =	shalt  }
0x76: {  	_ =	shalt  }
0x77: {  	_ =	shalt  }
0x78: {  	_ =	shalt  }
0x79: {  	_ =	shalt  }
0x7a: {  	_ =	shalt  }
0x7b: {  	_ =	shalt  }
0x7c: {  	_ =	shalt  }
0x7d: {  	_ =	shalt  }
0x7e: {  	_ =	shalt  }
0x7f: {  	_ =	shalt  }
0x80: {  	_ =	shalt  }
0x81: {  	_ =	shalt  }
0x82: {  	_ =	shalt  }
0x83: {  	_ =	shalt  }
0x84: {  	_ =	shalt  }
0x85: {  	_ =	shalt  }
0x86: {  	_ =	shalt  }
0x87: {  	_ =	shalt  }
.Lfunc_end0:
.L_simem_size_0:
called_computation.1_lowered:
.L_overlay_start_0:
0x88: {  	s2 =	sld [smem:$0x3FD9]  }
0x89: {  	s3 =	sld [smem:$0x3FFE];
	_ =	sdelay $0x1  }
0x8a: {  	s1 =	srdreg.scid  }
0x8b: {  	s0 =	sand.u32 $0x1, s1  }
0x8c: {  	s16 =	sshll.u32 s0, $0xA;
	s2 =	sadd.s32 s3, s2  }
0x8d: {  	s2 =	sadd.s32 s2, s16  }
0x8e: {  	[smem:$0x3FB9] =	sst s2  }
0x8f: {  	_ = 	snop  }
0x90: {  	(tm) =	ssettm $0x1  }
0x91: {  	s17 =	sld [smem:$0x3FFB];
	_ =	sdelay $0x3  }
0x92: {  	_ =	strace s17  }
0x93: {  	s2 =	sld [smem:$0x3FFC];
	_ =	sdelay $0x3  }
0x94: {  	_ =	strace s2  }
0x95: {  	s2 =	sld [smem:$0x3FFD];
	_ =	sdelay $0x3  }
0x96: {  	_ =	strace s2  }
0x97: {  	_ =	strace $0x8FFFFFFF  }
0x98: {  	s18 =	sld [smem:$0x3FDB];
	_ =	sdelay $0x1  }
0x99: {  	s19 =	simm.s32 $_scs_section_size  }
0x9a: {  	s4 =	simm.s32 $_size__tile_overlayer_lowered;
	s5 =	simm.s32 $_tile_overlayer_lowered  }
0x9b: {  	s22 =	simm.s32 $0x1BFF;
	s21 =	sshll.u32 s5, $0x1;
	s2 =	sadd.s32 s19, s18  }
0x9c: {  	s6 =	simm.s32 $0x0;
	s20 =	sshll.u32 s4, $0x1;
	s4 =	sadd.s32 s21, s2  }
0x9d: {  	[timem:s6], [sflag:s22] =	dma.local [hbm:s4], s20  }
0x9e: {  	_ =	swait.ge [sflag:s22], s20  }
0x9f: {  	s3 =	ssub.s32 $0x0, s20;
	[sflag:s22] =	ssyncset.done $0x0  }
0xa0: {  	[sflag:s22] =	ssyncadd.s32 s3;
	_ =	sdelay $0x1  }
0xa1: {  	s23 =	simm.s32 $0x1B8B  }
0xa2: {  	_ =	swait.ge [sflag:s23], $0x1  }
0xa3: {  	[sflag:s23] =	ssyncset.done $0x0  }
0xa4: {  	s25 =	simm.s32 $0x1B8E;
	s24 =	sld [smem:$0x3FFE];
	[sflag:s23] =	ssyncadd.s32 $0xFFFFFFFF  }
0xa5: {  	s26 =	simm.s32 $execute0_lowered;
	[smem:$0x3FD2] =	sst s25  }
0xa6: {  	s4 =	sshll.u32 s26, $0x1;
	_ =	strace $0x80000049;
	[dreg:$0x1] =	wrdreg $0xFFFFFFFF  }
0xa7: {  	s28 =	simm.s32 $_size_execute0_lowered;
	s2 =	sadd.s32 s2, s4;
	[dreg:$0x0] =	wrdreg $0x0  }
0xa8: {  	s4 =	sshll.u32 s28, $0x1;
	[dreg:$0x2] =	wrdreg s2  }
0xa9: {  	[dreg:$0x3] =	wrdreg s4  }
0xaa: {  	[dreg:$0x4] =	wrdreg $0xC0  }
0xab: {  	_ =	task [dreg:s6], $0x5FFFF  }
0xac: {  	[dreg:$0x1] =	wrdreg $0xFFFFFFFF  }
0xad: {  	[dreg:$0x0] =	wrdreg $0x60  }
0xae: {  	[dreg:$0x2] =	wrdreg s24  }
0xaf: {  	[dreg:$0x3] =	wrdreg $0x8A200  }
0xb0: {  	[dreg:$0x4] =	wrdreg $0x9  }
0xb1: {  	_ =	task.clear_ibuf [dreg:s6], $0x5FFFF;
	_ =	strace $0x90000049  }
0xb2: {  	s29 =	simm.s32 $0x9;
	_ =	strace $0x8000004B  }
0xb3: {  	_ =	swait.ge [sflag:s29], $0x1  }
0xb4: {  	[sflag:s29] =	ssyncadd.s32 $0xFFFFFFFF  }
0xb5: {  	_ =	strace $0x9000004B  }
0xb6: {  	_ =	sfence  }
0xb7: {  	s30 =	sld [smem:$0x0];
	_ =	sdelay $0x2  }
0xb8: {  	s31 =	sshll.u32 s1, $0xD;
	s1 =	sshrl.u32 s1, $0x2  }
0xb9: {  	s3 =	sand.u32 $0x4000, s31;
	s1 =	sadd.s32 s1, s30  }
0xba: {  	s0 =	sor.u32 s3, s0;
	s1 =	sshll.u32 s1, $0x11  }
0xbb: {  	s0 =	sor.u32 s1, s0  }
0xbc: {  	s0 =	sadd.s32 $0x8F2B, s0  }
0xbd: {  	[sflag:s0] =	ssyncadd.remote.s32 $0x1  }
0xbe: {  	_ =	sfence.sel $0xFFFF  }
0xbf: {  	[dreg:$0x0] =	wrdreg $0xFFFFFFFF;
	(pc) =	sbr.abs _section_cstart, $3  }
0xc0: {  	[dreg:$0x1] =	wrdreg $0xFFFFFFFF  }
0xc1: {  	_ =	task.clear_ibuf [dreg:s6], $0x2FFFF;
	_ =	strace $0x9FFFFFFF  }
0xc2: {  	(tm) =	ssettm $0x7FFFFFFF  }
0xc3: {  	_ =	shalt  }
tec
execute0_lowered:
.L_overlay_start_1:
0x0: {  	(tag) =	ssettag $0x1  }
0x1: {  	s5 =	rddreg [dreg:$0x0]  }
0x2: {  	s2 =	rddreg [dreg:$0x1]  }
0x3: {  	s4 =	srdreg.scid;
	s0 =	stileid.u32;
	s3 =	simm.s32 $0x0  }
0x4: {  	s18 =	simm.s32 $0x4E20;
	s19 =	simm.s32 $0x1;
	s20 =	simm.s32 $0x50  }
0x5: {  	s21 =	simm.s32 $0x6220;
	s22 =	simm.s32 $0x2;
	s7 =	smul.u32 $0x270, s0  }
0x6: {  	s23 =	simm.s32 $0x0;
	s6 =	sand.u32 $0x1, s4;
	s30 =	smul.u32 $0x27000, s0  }
0x7: {  	[smem:$0x7FF] =	sst s3;
	s4 =	sshll.u32 s6, $0x4;
	s8 =	smul.u32 $0x2710, s6  }
0x8: {  	_ =	strace $0x8000004A;
	s6 =	ssub.s32 $0x2, s6;
	s9 =	sor.u32 s0, s4  }
0x9: {  	s4 =	sadd.s32 $0x15C00, s5;
	s31 =	sshrl.u32 s6, $0x1;
	s9 =	smul.u32 $0x4E2, s9  }
0xa: {  	s7 =	sadd.s32 s7, s8;
	s10 =	ssub.s32 s6, s31;
	s8 =	sshrl.u32 s30, $0x2  }
0xb: {  	s7 =	sshll.u32 s7, $0x3;
	s8 =	sadd.s32 s8, s2;
	s9 =	sadd.s32 s9, s5  }
0xc: {  	s7 =	sadd.s32 s7, s5;
	s11 =	sadd.s32 $0x2800, s8;
	s12 =	sadd.s32 $0x3C00, s8  }
0xd: {  	s13 =	sadd.s32 $0x5000, s8;
	s14 =	sadd.s32 $0x6400, s8;
	s15 =	sadd.s32 $0x7800, s8  }
0xe: {  	s16 =	sadd.s32 $0x8C00, s8;
	s5 =	sadd.s32 $0xBE00, s9;
	s6 =	sadd.s32 $0x2000, s9  }
0xf: {  	v0 =	vimm.f32 $0.0e+00;
	s7 =	sadd.s32 $0x29600, s7;
	s9 =	smax.u32 s10, $0x1;
	s10 =	sadd.s32 $0x1400, s8  }
.LBB2_1:
0x10: {  	[tilespmem:s3], [sflag:$0x1] =	stream.linear.gather [hbm4b:s5+s3], $0x2710, $0x38;
	[tilespmem:$0x12660] =	vst v63  }
0x11: {  	s24 =	sand.u32 $0x7F00, s3  }
0x12: {  	s0 =	simm.s32 $0x2710;
	s25 =	sand.u32 $0x30, s3;
	s26 =	sshrl.u32 s24, $0x2  }
0x13: {  	[tilespmem:s0], [sflag:$0x1] =	stream.linear.gather [hbm4b:s6+s3], $0x2710, $0x38;
	[tilespmem:$0x12660] =	vst v63  }
0x14: {  	s24 =	simm.s32 $0x40;
	s26 =	sor.u32 s25, s26;
	s25 =	simm.s32 $0x0  }
.LBB2_2:
0x15: {  	p0 =	sne.s32 s24, $0x4FC0  }
0x16: {  	[tilespmem:s26+$0x4E20] =	vst v0;
	s25 =	sadd.s32 $0x10, s25;
	s26 =	smov.u32 s24;
	s24 =	sadd.s32 $0x40, s24  }
.Ltmp0:
0x17: {  	(pc) =	sbr.rel @p0 .LBB2_2-.Ltmp0, $4  }
0x18: {  	_ = 	snop  }
0x19: {  	s26 =	sand.u32 $0x7F00, s26  }
0x1a: {  	s28 =	sand.u32 $0x30, s25;
	s26 =	sshrl.u32 s26, $0x2  }
0x1b: {  	s26 =	sor.u32 s28, s26  }
0x1c: {  	[tilespmem:s26+$0x4E20] =	vst v0;
	s24 =	simm.s32 $0x2  }
0x1d: {  	[spmem:s8] =	stream.linear.scatter [tilespmem:s18], [sflag:$0x2], $0x1400, $0x38;
	[tilespmem:$0x12660] =	vst v63  }
0x1e: {  	_ =	swait.ge [sflag:s24], $0x1400  }
0x1f: {  	[sflag:s24] =	ssyncset.done $0x0  }
0x20: {  	[sflag:s24] =	ssyncadd.s32 $0xFFFFEC00  }
0x21: {  	[spmem:s10] =	stream.linear.scatter [tilespmem:s18], [sflag:$0x2], $0x1400, $0x38;
	[tilespmem:$0x12660] =	vst v63  }
0x22: {  	_ =	swait.ge [sflag:s24], $0x1400  }
0x23: {  	[sflag:s24] =	ssyncset.done $0x0  }
0x24: {  	[sflag:s24] =	ssyncadd.s32 $0xFFFFEC00  }
0x25: {  	[spmem:s11] =	stream.linear.scatter [tilespmem:s18], [sflag:$0x2], $0x1400, $0x38;
	[tilespmem:$0x12660] =	vst v63  }
0x26: {  	_ =	swait.ge [sflag:s24], $0x1400  }
0x27: {  	[sflag:s24] =	ssyncset.done $0x0  }
0x28: {  	[sflag:s24] =	ssyncadd.s32 $0xFFFFEC00  }
0x29: {  	[spmem:s12] =	stream.linear.scatter [tilespmem:s18], [sflag:$0x2], $0x1400, $0x38;
	[tilespmem:$0x12660] =	vst v63  }
0x2a: {  	_ =	swait.ge [sflag:s24], $0x1400  }
0x2b: {  	[sflag:s24] =	ssyncset.done $0x0  }
0x2c: {  	[sflag:s24] =	ssyncadd.s32 $0xFFFFEC00  }
0x2d: {  	[spmem:s13] =	stream.linear.scatter [tilespmem:s18], [sflag:$0x2], $0x1400, $0x38;
	[tilespmem:$0x12660] =	vst v63  }
0x2e: {  	_ =	swait.ge [sflag:s24], $0x1400  }
0x2f: {  	[sflag:s24] =	ssyncset.done $0x0  }
0x30: {  	[sflag:s24] =	ssyncadd.s32 $0xFFFFEC00  }
0x31: {  	[spmem:s14] =	stream.linear.scatter [tilespmem:s18], [sflag:$0x2], $0x1400, $0x38;
	[tilespmem:$0x12660] =	vst v63  }
0x32: {  	_ =	swait.ge [sflag:s24], $0x1400  }
0x33: {  	[sflag:s24] =	ssyncset.done $0x0  }
0x34: {  	s25 =	simm.s32 $0x0;
	[sflag:s24] =	ssyncadd.s32 $0xFFFFEC00  }
0x35: {  	[spmem:s15] =	stream.linear.scatter [tilespmem:s18], [sflag:$0x2], $0x1400, $0x38;
	[tilespmem:$0x12660] =	vst v63  }
0x36: {  	s25 =	smul.u32 $0xAB, s25;
	_ =	swait.ge [sflag:s24], $0x1400  }
0x37: {  	[sflag:s24] =	ssyncset.done $0x0  }
0x38: {  	s25 =	sshrl.u32 s25, $0x9;
	[sflag:s24] =	ssyncadd.s32 $0xFFFFEC00  }
0x39: {  	[spmem:s16] =	stream.linear.scatter [tilespmem:s18], [sflag:$0x2], $0x1400, $0x38;
	[tilespmem:$0x12660] =	vst v63  }
0x3a: {  	s25 =	sand.u32 $0x7F, s25;
	_ =	swait.ge [sflag:s24], $0x1400  }
0x3b: {  	p0 =	por $0x0, $0x0;
	s25 =	smul.u32 $0x3, s25;
	[sflag:s24] =	ssyncset.done $0x0  }
0x3c: {  	[sflag:s24] =	ssyncadd.s32 $0xFFFFEC00;
	s24 =	smul.u32 @!p0 $0xAB, s24  }
0x3d: {  	s26 =	simm.s32 $0xA0;
	_ =	swait.ge [sflag:s19], $0x2710  }
0x3e: {  	s25 =	ssub.s32 $0x0, s25;
	[sflag:s19] =	ssyncset.done $0x0;
	s24 =	sshrl.u32 @!p0 s24, $0x9  }
0x3f: {  	[sflag:s19] =	ssyncadd.s32 $0xFFFFD8F0;
	s24 =	sand.u32 @!p0 $0x7F, s24;
	p0 =	por p0, p0  }
0x40: {  	s25 =	sand.u32 $0xFF, s25;
	_ =	swait.ge [sflag:s19], $0x2710;
	s24 =	smul.u32 @!p0 $0x3, s24  }
0x41: {  	p1 =	por $0x0, $0x0;
	s25 =	smul.u32 $0x5000, s25;
	[sflag:s19] =	ssyncset.done $0x0  }
0x42: {  	s17 =	simm.s32 $0x2710;
	[sflag:s19] =	ssyncadd.s32 $0xFFFFD8F0;
	s24 =	ssub.s32 @!p0 $0x2, s24  }
0x43: {  	s25 =	sshrl.u32 s25, $0x2;
	[bflag:$0x0] =	sbarrier.arrive $0xFFFF;
	s28 =	sand.u32 @!p0 $0xFF, s24  }
0x44: {  	[tilespmem:s18], [sflag:$0x1] =	stream.indirect.gather [hbm4b:s4+s20], $0x40, s3, s20, $0xb8;
	[tilespmem:$0x12660] =	vst v63  }
0x45: {  	s25 =	sadd.s32 $0x4E20, s25;
	s24 =	simm.s32 $0x3;
	s28 =	smul.u32 @!p0 $0x5000, s28  }
0x46: {  	[tilespmem:s21], [sflag:$0x1] =	stream.indirect.gather [hbm4b:s4+s20], $0x40, s20, s20, $0xb8;
	[tilespmem:$0x12660] =	vst v63  }
0x47: {  	s29 =	simm.s32 @!p0 $0x50;
	s0 =	smul.u32 @!p1 $0xAB, s24;
	_ =	swait.ge [sflag:s19], $0x1400  }
0x48: {  	s30 =	sshrl.u32 @!p0 s28, $0x2;
	s28 =	simm.s32 $0x1;
	[sflag:s19] =	ssyncset.done $0x0  }
0x49: {  	s30 =	sadd.s32 @!p0 $0x4E20, s30;
	s31 =	smul.u32 $0xAB, s28;
	[sflag:s19] =	ssyncadd.s32 $0xFFFFEC00  }
0x4a: {  	[tilespmem:s30], [sflag:$0x1] =	stream.indirect.gather @!p0 [hbm4b:s4+s29], $0x40, s26, s29, $0xb8;
	[tilespmem:$0x12660] =	vst v63  }
0x4b: {  	s29 =	simm.s32 $0x4;
	s26 =	simm.s32 $0xF0;
	s30 =	sshrl.u32 s31, $0x9  }
0x4c: {  	[spmem:s2] =	stream.indirect.scatter.add.f32 [tilespmem:s25], [sflag:$0x2], $0x40, s17, s20, $0xb8;
	[tilespmem:$0x12660] =	vst v63  }
0x4d: {  	s31 =	sshrl.u32 @!p1 s0, $0x9;
	s25 =	simm.s32 $0x2760;
	_ =	swait.ge [sflag:s22], $0x1400  }
.LBB2_4:
0x4e: {  	s0 =	sand.u32 @!p1 $0x7F, s31  }
0x4f: {  	[sflag:s22] =	ssyncset.done $0x0;
	s31 =	smov.u32 s29;
	s29 =	sadd.s32 $0x1, s29  }
0x50: {  	s1 =	smov.u32 s25;
	p2 =	por p1, p1;
	s30 =	sand.u32 $0x7F, s30  }
0x51: {  	p0 =	sne.s32 s29, $0x7F;
	s0 =	smul.u32 @!p2 $0x3, s0;
	[sflag:s22] =	ssyncadd.s32 $0xFFFFEC00  }
0x52: {  	s30 =	smul.u32 $0x3, s30  }
0x53: {  	s0 =	ssub.s32 @!p2 s24, s0;
	s24 =	smov.u32 s31  }
0x54: {  	s28 =	ssub.s32 s28, s30;
	s0 =	sand.u32 @!p2 $0xFF, s0  }
0x55: {  	s25 =	sadd.s32 $0x50, s25;
	s28 =	sand.u32 $0xFF, s28;
	s0 =	smul.u32 @!p2 $0x5000, s0  }
0x56: {  	s30 =	simm.s32 @!p2 $0x50;
	s31 =	smul.u32 $0x5000, s28;
	_ =	swait.ge [sflag:s19], $0x1400  }
0x57: {  	s28 =	sadd.s32 $0xFFFFFFFE, s24;
	[sflag:s19] =	ssyncset.done $0x0;
	s0 =	sshrl.u32 @!p2 s0, $0x2  }
0x58: {  	s17 =	smul.u32 $0xAB, s28;
	[sflag:s19] =	ssyncadd.s32 $0xFFFFEC00;
	s0 =	sadd.s32 @!p2 $0x4E20, s0  }
.Ltmp1:
0x59: {  	p1 =	sgt.u32 s28, $0x7A;
	s31 =	sshrl.u32 s31, $0x2;
	(pc) =	sbr.rel @p0 .LBB2_4-.Ltmp1, $4  }
0x5a: {  	[tilespmem:s0], [sflag:$0x1] =	stream.indirect.gather @!p2 [hbm4b:s4+s30], $0x40, s26, s30, $0xb8;
	[tilespmem:$0x12660] =	vst v63  }
0x5b: {  	s0 =	smul.u32 @!p1 $0xAB, s24;
	s30 =	sadd.s32 $0x4E20, s31;
	s26 =	sadd.s32 $0x50, s26  }
0x5c: {  	[spmem:s2] =	stream.indirect.scatter.add.f32 [tilespmem:s30], [sflag:$0x2], $0x40, s1, s20, $0xb8;
	[tilespmem:$0x12660] =	vst v63  }
0x5d: {  	s30 =	sshrl.u32 s17, $0x9;
	s31 =	sshrl.u32 @!p1 s0, $0x9;
	_ =	swait.ge [sflag:s22], $0x1400  }
0x5e: {  	s0 =	sand.u32 @!p1 $0x7F, s31;
	p0 =	por p1, p1  }
0x5f: {  	s1 =	sand.u32 $0x7F, s30;
	s0 =	smul.u32 @!p0 $0x3, s0  }
0x60: {  	s1 =	smul.u32 $0x3, s1  }
0x61: {  	s0 =	ssub.s32 @!p0 s24, s0  }
0x62: {  	[sflag:s22] =	ssyncset.done $0x0;
	s1 =	ssub.s32 s28, s1;
	s0 =	sand.u32 @!p0 $0xFF, s0  }
0x63: {  	[sflag:s22] =	ssyncadd.s32 $0xFFFFEC00;
	s1 =	sand.u32 $0xFF, s1;
	s0 =	smul.u32 @!p0 $0x5000, s0  }
0x64: {  	_ =	swait.ge [sflag:s19], $0x1400;
	s1 =	smul.u32 $0x5000, s1  }
0x65: {  	s17 =	simm.s32 @!p0 $0x50;
	[sflag:s19] =	ssyncset.done $0x0;
	s0 =	sshrl.u32 @!p0 s0, $0x2  }
0x66: {  	[sflag:s19] =	ssyncadd.s32 $0xFFFFEC00;
	s1 =	sshrl.u32 s1, $0x2;
	s0 =	sadd.s32 @!p0 $0x4E20, s0  }
0x67: {  	[tilespmem:s0], [sflag:$0x1] =	stream.indirect.gather @!p0 [hbm4b:s4+s17], $0x40, s26, s17, $0xb8;
	[tilespmem:$0x12660] =	vst v63  }
0x68: {  	s29 =	sadd.s32 $0x4E20, s1  }
0x69: {  	[spmem:s2] =	stream.indirect.scatter.add.f32 [tilespmem:s29], [sflag:$0x2], $0x40, s25, s20, $0xb8;
	[tilespmem:$0x12660] =	vst v63  }
0x6a: {  	s30 =	stileid.u32;
	_ =	swait.ge [sflag:s22], $0x1400  }
0x6b: {  	s31 =	sshrl.u32 s8, $0x3;
	s23 =	sadd.s32 $0x1, s23;
	[sflag:s22] =	ssyncset.done $0x0  }
0x6c: {  	s0 =	sshll.u32 s30, $0x6;
	p0 =	sne.s32 s23, s9;
	[sflag:s22] =	ssyncadd.s32 $0xFFFFEC00  }
.Ltmp2:
0x6d: {  	s0 =	sor.u32 $0x1C02, s0;
	[bflag:$0x0] =	sbarrier.arrive $0xFFFF;
	(pc) =	sbr.rel @p0 .LBB2_1-.Ltmp2, $4  }
0x6e: {  	[hbm:s7], [sflag:s0] =	dma.local [spmem:s31], $0x1400  }
0x6f: {  	_ =	swait.ge [sflag:s22], $0x1400  }
0x70: {  	[sflag:s22] =	ssyncset.done $0x0  }
0x71: {  	[sflag:s22] =	ssyncadd.s32 $0xFFFFEC00  }
0x72: {  	_ =	sfence.sel $0x180000  }
0x73: {  	[bflag:$0x0] =	sbarrier.arrive $0xFFFF  }
0x74: {  	_ =	strace $0x9000004A  }
0x75: {  	s0 =	stileid.u32;
	[bflag:$0x2] =	sbarrier.arrive $0xFFFF  }
0x76: {  	p0 =	sne.s32 s0, $0x0;
	s0 =	rddreg [dreg:$0x2]  }
0x77: {  	s0 =	sadd.s32 @!p0 $0x100000, s0  }
0x78: {  	[sflag:s0] =	ssyncadd.tile.s32 @!p0 $0x1;
	_ =	shalt  }
.Lfunc_end2:
_tile_overlayer_lowered:
.L_overlay_start_2:
0x79: {  	(tag) =	ssettag $0x2  }
0x7a: {  	s0 =	rddreg [dreg:$0x0];
	s2 =	stileid.u32  }
0x7b: {  	s1 =	rddreg [dreg:$0x1];
	p0 =	sne.s32 s2, $0x0  }
0x7c: {  	s3 =	rddreg [dreg:$0x2];
	[bflag:$0x3] =	sbarrier.arrive $0xFFFF;
	s2 =	simm.s32 @!p0 $0x1C02  }
0x7d: {  	[timem:s3], [sflag:s2] =	dma.local @!p0 [hbm:s0], s1  }
0x7e: {  	s0 =	simm.s32 @!p0 $0x2  }
0x7f: {  	_ =	swait.ge @!p0 [sflag:s0], s1  }
0x80: {  	s1 =	ssub.s32 @!p0 $0x0, s1;
	[sflag:s0] =	ssyncset.done @!p0 $0x0  }
0x81: {  	[sflag:s0] =	ssyncadd.s32 @!p0 s1  }
0x82: {  	[bflag:$0x3] =	sbarrier.arrive $0xFFFF  }
0x83: {  	_ =	shalt  }

</sc_bundles>
